<compile_context>
chip_gen: v7x
topology: tpu7x:2x2x1
jax: 0.10.2.dev20260603
libtpu: 0.0.44.dev20260713+nightly
codegen_flags: <defaults>
</compile_context>

<pallas_src>
import functools

import jax
import jax.numpy as jnp
from jax import lax
from jax.experimental import pallas as pl
from jax.experimental.pallas import tpu as pltpu
from jax.experimental.pallas import tpu_sc as plsc

_B = 1024
_K = 100000
_O = 64
_KBLK = 2048
_NBLK = 48
_SCBLK = 2
_K0SC = (_NBLK - _SCBLK) * _KBLK
_KSC = _SCBLK * _KBLK
_TCSTEP = _NBLK - _SCBLK + 1
_TAIL = _K - _NBLK * _KBLK
_NC = 2
_NS = 16
_NW = _NC * _NS
_CHUNK = _KSC // _NW
_SR = 16



def _mm_body(x_ref, w_ref, b_ref, o_ref):
    k = pl.program_id(0)

    @pl.when(k == 0)
    def _init():
        o_ref[...] = jnp.broadcast_to(b_ref[...], (_O, _B))

    @pl.when(k < _TCSTEP - 1)
    def _full():
        o_ref[...] += jax.lax.dot_general(
            w_ref[...], x_ref[...], (((1,), (0,)), ((), ())),
            preferred_element_type=jnp.float32)

    @pl.when(k == _TCSTEP - 1)
    def _tail():
        x = jnp.where(
            jax.lax.broadcasted_iota(jnp.int32, (_KBLK, _B), 0) < _TAIL,
            x_ref[...], 0.0)
        w = jnp.where(
            jax.lax.broadcasted_iota(jnp.int32, (_O, _KBLK), 1) < _TAIL,
            w_ref[...], 0.0)
        o_ref[...] += jax.lax.dot_general(
            w, x, (((1,), (0,)), ((), ())),
            preferred_element_type=jnp.float32)


def _blk(k):
    return jnp.where(k < _TCSTEP - 1, k, _NBLK)


def _tc_call(xT, weight, bias):
    return pl.pallas_call(
        _mm_body,
        grid=(_TCSTEP,),
        in_specs=[
            pl.BlockSpec((_KBLK, _B), lambda k: (_blk(k), 0)),
            pl.BlockSpec((_O, _KBLK), lambda k: (0, _blk(k))),
            pl.BlockSpec((_O, 1), lambda k: (0, 0)),
        ],
        out_specs=pl.BlockSpec((_O, _B), lambda k: (0, 0)),
        out_shape=jax.ShapeDtypeStruct((_O, _B), jnp.float32),
        compiler_params=pltpu.CompilerParams(
            dimension_semantics=("arbitrary",),
        ),
    )(xT, weight, bias.reshape(_O, 1))



_BG = 128
_KQ = _KSC // _NC // 2
_NCH = _KQ // _CHUNK


def _sc_body(xT, weight, out, xbuf, wbuf, acc, tbuf, cval, cidx, shared):
    cid = lax.axis_index("c")
    sid = lax.axis_index("s")
    bg = sid % 8
    kq = sid // 8
    b0 = bg * _BG
    kbase = _K0SC + cid * (2 * _KQ) + kq * _KQ

    lanes = lax.iota(jnp.int32, 16)

    def _acc_zero(r, _):
        for g in range(_BG // 16):
            acc[r, pl.ds(g * 16, 16)] = jnp.zeros((16,), jnp.float32)
        return 0

    lax.fori_loop(0, _O, _acc_zero, 0)

    def _chunkloop(ch, _):
        cb = kbase + ch * _CHUNK
        pltpu.sync_copy(weight.at[:, pl.ds(cb, _CHUNK)], wbuf)
        pltpu.sync_copy(xT.at[pl.ds(cb, _CHUNK), pl.ds(b0, _BG)], xbuf)

        def _row(r, _):
            def _scan(g, off):
                xv = xbuf[r, pl.ds(g * 16, 16)]
                m = xv != 0.0
                plsc.store_compressed(cval.at[pl.ds(off, 16)], xv, mask=m)
                plsc.store_compressed(cidx.at[pl.ds(off, 16)],
                                      g * 16 + lanes, mask=m)
                return off + plsc.all_reduce_population_count(m)[0]

            n = lax.fori_loop(0, _BG // 16, _scan, jnp.int32(0))

            @pl.when(n > 0)
            def _flush():
                ksp = jnp.full((16,), r, jnp.int32)
                wv = [plsc.load_gather(wbuf, [j * 16 + lanes, ksp])
                      for j in range(_O // 16)]

                def _ent(i, _):
                    isp = jnp.full((16,), i, jnp.int32)
                    bsp = plsc.load_gather(cidx, [isp])
                    vsp = plsc.load_gather(cval, [isp])
                    for j in range(_O // 16):
                        plsc.addupdate_scatter(
                            acc, [j * 16 + lanes, bsp], vsp * wv[j])
                    return 0

                lax.fori_loop(0, n, _ent, 0)

            return 0

        lax.fori_loop(0, _CHUNK, _row, 0)
        return 0

    lax.fori_loop(0, _NCH, _chunkloop, 0)

    @pl.when(kq == 1)
    def _push():
        pltpu.sync_copy(acc, shared.at[bg])

    plsc.subcore_barrier()

    @pl.when(kq == 0)
    def _merge():
        pltpu.sync_copy(shared.at[bg], tbuf)

        def _addrow(r, _):
            for g in range(_BG // 16):
                sl = pl.ds(g * 16, 16)
                acc[r, sl] = acc[r, sl] + tbuf[r, sl]
            return 0

        lax.fori_loop(0, _O, _addrow, 0)
        pltpu.sync_copy(acc, out.at[cid, :, pl.ds(b0, _BG)])


_sc_call = functools.partial(
    pl.kernel,
    mesh=plsc.VectorSubcoreMesh(core_axis_name="c", subcore_axis_name="s"),
    compiler_params=pltpu.CompilerParams(needs_layout_passes=False),
    out_type=jax.ShapeDtypeStruct((_NC, _O, _B), jnp.float32),
    scratch_types=[
        pltpu.VMEM((_CHUNK, _BG), jnp.float32),
        pltpu.VMEM((_O, _CHUNK), jnp.float32),
        pltpu.VMEM((_O, _BG), jnp.float32),
        pltpu.VMEM((_O, _BG), jnp.float32),
        pltpu.VMEM((_BG + 16,), jnp.float32),
        pltpu.VMEM((_BG + 16,), jnp.int32),
        pltpu.VMEM_SHARED((8, _O, _BG), jnp.float32),
    ],
)


def kernel(input, weight, bias):
    xT = input.T
    parts = _sc_call(_sc_body)(xT, weight)
    out_t = _tc_call(xT, weight, bias)
    return (out_t + parts[0] + parts[1]).T

# --- scband reference (transcript-rebuilt; emitter-appended) ---
"""Pipeline reference for scband-sparse-linear-34686155883133 (READ-ONLY COPY).

The authoritative reference and input builder live on the scoring server;
editing this copy changes nothing except your own understanding.
"""

import jax, jax.numpy as jnp
import numpy as np
import math

IN_FEATURES = 100000
OUT_FEATURES = 64
BATCH = 1024

def setup_inputs(seed: int = 0) -> dict:
    key = jax.random.key(seed)
    k_in, k_mask, k_w, k_b = jax.random.split(key, 4)
    # Sparse-like input: ~1% density multi-hot / weighted feature matrix.
    dense_vals = jax.random.uniform(k_in, (BATCH, IN_FEATURES), dtype=jnp.float32)
    mask = (jax.random.uniform(k_mask, (BATCH, IN_FEATURES)) < 0.01).astype(jnp.float32)
    input = dense_vals * mask
    # Kaiming uniform init (a=sqrt(5)) as in torch nn.Linear
    fan_in = IN_FEATURES
    gain = math.sqrt(2.0 / (1.0 + 5.0))
    bound_w = gain * math.sqrt(3.0 / fan_in)
    weight = jax.random.uniform(k_w, (OUT_FEATURES, IN_FEATURES), minval=-bound_w, maxval=bound_w, dtype=jnp.float32)
    bound_b = 1.0 / math.sqrt(fan_in)
    bias = jax.random.uniform(k_b, (OUT_FEATURES,), minval=-bound_b, maxval=bound_b, dtype=jnp.float32)
    return {"input": input, "weight": weight, "bias": bias}

def reference(input, weight, bias):
    # torch.sparse.mm(input, weight.T) is mathematically input @ weight.T
    wb = input @ weight.T
    out = wb + bias
    return out

if __name__ == "__main__":
    import jax
    _d = setup_inputs()
    print(jax.jit(kernel)(*tuple(_d.values())))

</pallas_src>

<mosaic_0001>
#map = affine_map<(d0, d1) -> (0, 0)>
#map1 = affine_map<(d0, d1) -> (0, 0, 0)>
module attributes {stable_mosaic.version = 14 : i64} {
  func.func @_sc_body(%arg0: i32, %arg1: i32, %arg2: memref<100000x1024xf32, #tpu.memory_space<hbm>>, %arg3: memref<64x100000xf32, #tpu.memory_space<hbm>>, %arg4: memref<2x64x1024xf32, #tpu.memory_space<hbm>>, %arg5: memref<128x128xf32, #tpu.memory_space<vmem>>, %arg6: memref<64x128xf32, #tpu.memory_space<vmem>>, %arg7: memref<64x128xf32, #tpu.memory_space<vmem>>, %arg8: memref<64x128xf32, #tpu.memory_space<vmem>>, %arg9: memref<144xf32, #tpu.memory_space<vmem>>, %arg10: memref<144xi32, #tpu.memory_space<vmem>>, %arg11: memref<8x64x128xf32, #tpu.memory_space<vmem_shared>>) attributes {dimension_semantics = [#tpu.dimension_semantics<core_parallel>, #tpu.dimension_semantics<subcore_parallel>], iteration_bounds = array<i64: 2, 16>, scalar_prefetch = 0 : i64, scratch_operands = 7 : i64, tpu.core_type = #tpu.core_type<sc_vector_subcore>, window_params = [{transform_indices = #map}, {transform_indices = #map}, {transform_indices = #map1}]} {
    %jit3A = arith.constant 8 : i32
    %eq3A = arith.constant 0 : i32
    %eq3A_0 = arith.cmpi eq, %jit3A, %eq3A : i32
    %jit3A_1 = arith.constant 1 : i32
    %select_n3A = arith.select %eq3A_0, %jit3A_1, %jit3A : i32
    %rem3A = arith.remsi %arg1, %select_n3A : i32
    %ne3A = arith.constant 0 : i32
    %ne3A_2 = arith.cmpi ne, %rem3A, %ne3A : i32
    %lt3A = arith.constant 0 : i32
    %lt3A_3 = arith.cmpi slt, %rem3A, %lt3A : i32
    %lt3A_4 = arith.constant 0 : i32
    %lt3A_5 = arith.cmpi slt, %select_n3A, %lt3A_4 : i32
    %ne3A_6 = arith.xori %lt3A_3, %lt3A_5 : i1
    %and3A = arith.andi %ne3A_6, %ne3A_2 : i1
    %add3A = arith.addi %rem3A, %select_n3A : i32
    %select_n3A_7 = arith.select %and3A, %add3A, %rem3A : i32
    %jit3A_8 = arith.constant 8 : i32
    %div3A = arith.divsi %arg1, %jit3A_8 : i32
    %sign3A = arith.constant 0 : i32
    %sign3A_9 = arith.cmpi sgt, %arg1, %sign3A : i32
    %sign3A_10 = arith.extui %sign3A_9 : i1 to i32
    %sign3A_11 = arith.constant 0 : i32
    %sign3A_12 = arith.cmpi slt, %arg1, %sign3A_11 : i32
    %sign3A_13 = arith.extui %sign3A_12 : i1 to i32
    %sign3A_14 = arith.subi %sign3A_10, %sign3A_13 : i32
    %sign3A_15 = arith.constant 0 : i32
    %sign3A_16 = arith.cmpi sgt, %jit3A_8, %sign3A_15 : i32
    %sign3A_17 = arith.extui %sign3A_16 : i1 to i32
    %sign3A_18 = arith.constant 0 : i32
    %sign3A_19 = arith.cmpi slt, %jit3A_8, %sign3A_18 : i32
    %sign3A_20 = arith.extui %sign3A_19 : i1 to i32
    %sign3A_21 = arith.subi %sign3A_17, %sign3A_20 : i32
    %ne3A_22 = arith.cmpi ne, %sign3A_14, %sign3A_21 : i32
    %rem3A_23 = arith.remsi %arg1, %jit3A_8 : i32
    %ne3A_24 = arith.constant 0 : i32
    %ne3A_25 = arith.cmpi ne, %rem3A_23, %ne3A_24 : i32
    %and3A_26 = arith.andi %ne3A_22, %ne3A_25 : i1
    %sub3A = arith.constant 1 : i32
    %sub3A_27 = arith.subi %div3A, %sub3A : i32
    %select_n3A_28 = arith.select %and3A_26, %sub3A_27, %div3A : i32
    %mul3A = arith.constant 128 : i32
    %mul3A_29 = arith.muli %select_n3A_7, %mul3A : i32
    %mul3A_30 = arith.constant 2048 : i32
    %mul3A_31 = arith.muli %arg0, %mul3A_30 : i32
    %add3A_32 = arith.constant 94208 : i32
    %add3A_33 = arith.addi %add3A_32, %mul3A_31 : i32
    %mul3A_34 = arith.constant 1024 : i32
    %mul3A_35 = arith.muli %select_n3A_28, %mul3A_34 : i32
    %add3A_36 = arith.addi %add3A_33, %mul3A_35 : i32
    %iota3A = tpu.iota {dimensions = array<i32: 0>} : vector<16xi32>
    %scan3A = arith.constant 0 : i32
    %scan3A_37 = arith.constant 0 : i32
    %scan3A_38 = arith.constant 64 : i32
    %scan3A_39 = arith.addi %scan3A_37, %scan3A_38 : i32
    %scan3A_40 = arith.constant 1 : i32
    %scan3A_41 = scf.for %scan3A_58 = %scan3A_37 to %scan3A_39 step %scan3A_40 iter_args(%scan3A_59 = %scan3A) -> (i32)  : i32 {
      %broadcast_in_dim3A = arith.constant 0.000000e+00 : f32
      %broadcast_in_dim3A_60 = vector.broadcast %broadcast_in_dim3A : f32 to vector<16xf32>
      %swap3A = arith.index_cast %scan3A_58 : i32 to index
      %swap3A_61 = arith.constant 0 : index
      %swap3A_62 = tpu.vector_load %arg7[%swap3A, %swap3A_61] {strides = array<i32>} : memref<64x128xf32, #tpu.memory_space<vmem>>, vector<16xf32>,
      tpu.vector_store %arg7[%swap3A, %swap3A_61], %broadcast_in_dim3A_60 {strides = array<i32>} : memref<64x128xf32, #tpu.memory_space<vmem>>, vector<16xf32>,
      %broadcast_in_dim3A_63 = arith.constant 0.000000e+00 : f32
      %broadcast_in_dim3A_64 = vector.broadcast %broadcast_in_dim3A_63 : f32 to vector<16xf32>
      %swap3A_65 = arith.index_cast %scan3A_58 : i32 to index
      %swap3A_66 = arith.constant 16 : index
      %swap3A_67 = tpu.vector_load %arg7[%swap3A_65, %swap3A_66] {strides = array<i32>} : memref<64x128xf32, #tpu.memory_space<vmem>>, vector<16xf32>,
      tpu.vector_store %arg7[%swap3A_65, %swap3A_66], %broadcast_in_dim3A_64 {strides = array<i32>} : memref<64x128xf32, #tpu.memory_space<vmem>>, vector<16xf32>,
      %broadcast_in_dim3A_68 = arith.constant 0.000000e+00 : f32
      %broadcast_in_dim3A_69 = vector.broadcast %broadcast_in_dim3A_68 : f32 to vector<16xf32>
      %swap3A_70 = arith.index_cast %scan3A_58 : i32 to index
      %swap3A_71 = arith.constant 32 : index
      %swap3A_72 = tpu.vector_load %arg7[%swap3A_70, %swap3A_71] {strides = array<i32>} : memref<64x128xf32, #tpu.memory_space<vmem>>, vector<16xf32>,
      tpu.vector_store %arg7[%swap3A_70, %swap3A_71], %broadcast_in_dim3A_69 {strides = array<i32>} : memref<64x128xf32, #tpu.memory_space<vmem>>, vector<16xf32>,
      %broadcast_in_dim3A_73 = arith.constant 0.000000e+00 : f32
      %broadcast_in_dim3A_74 = vector.broadcast %broadcast_in_dim3A_73 : f32 to vector<16xf32>
      %swap3A_75 = arith.index_cast %scan3A_58 : i32 to index
      %swap3A_76 = arith.constant 48 : index
      %swap3A_77 = tpu.vector_load %arg7[%swap3A_75, %swap3A_76] {strides = array<i32>} : memref<64x128xf32, #tpu.memory_space<vmem>>, vector<16xf32>,
      tpu.vector_store %arg7[%swap3A_75, %swap3A_76], %broadcast_in_dim3A_74 {strides = array<i32>} : memref<64x128xf32, #tpu.memory_space<vmem>>, vector<16xf32>,
      %broadcast_in_dim3A_78 = arith.constant 0.000000e+00 : f32
      %broadcast_in_dim3A_79 = vector.broadcast %broadcast_in_dim3A_78 : f32 to vector<16xf32>
      %swap3A_80 = arith.index_cast %scan3A_58 : i32 to index
      %swap3A_81 = arith.constant 64 : index
      %swap3A_82 = tpu.vector_load %arg7[%swap3A_80, %swap3A_81] {strides = array<i32>} : memref<64x128xf32, #tpu.memory_space<vmem>>, vector<16xf32>,
      tpu.vector_store %arg7[%swap3A_80, %swap3A_81], %broadcast_in_dim3A_79 {strides = array<i32>} : memref<64x128xf32, #tpu.memory_space<vmem>>, vector<16xf32>,
      %broadcast_in_dim3A_83 = arith.constant 0.000000e+00 : f32
      %broadcast_in_dim3A_84 = vector.broadcast %broadcast_in_dim3A_83 : f32 to vector<16xf32>
      %swap3A_85 = arith.index_cast %scan3A_58 : i32 to index
      %swap3A_86 = arith.constant 80 : index
      %swap3A_87 = tpu.vector_load %arg7[%swap3A_85, %swap3A_86] {strides = array<i32>} : memref<64x128xf32, #tpu.memory_space<vmem>>, vector<16xf32>,
      tpu.vector_store %arg7[%swap3A_85, %swap3A_86], %broadcast_in_dim3A_84 {strides = array<i32>} : memref<64x128xf32, #tpu.memory_space<vmem>>, vector<16xf32>,
      %broadcast_in_dim3A_88 = arith.constant 0.000000e+00 : f32
      %broadcast_in_dim3A_89 = vector.broadcast %broadcast_in_dim3A_88 : f32 to vector<16xf32>
      %swap3A_90 = arith.index_cast %scan3A_58 : i32 to index
      %swap3A_91 = arith.constant 96 : index
      %swap3A_92 = tpu.vector_load %arg7[%swap3A_90, %swap3A_91] {strides = array<i32>} : memref<64x128xf32, #tpu.memory_space<vmem>>, vector<16xf32>,
      tpu.vector_store %arg7[%swap3A_90, %swap3A_91], %broadcast_in_dim3A_89 {strides = array<i32>} : memref<64x128xf32, #tpu.memory_space<vmem>>, vector<16xf32>,
      %broadcast_in_dim3A_93 = arith.constant 0.000000e+00 : f32
      %broadcast_in_dim3A_94 = vector.broadcast %broadcast_in_dim3A_93 : f32 to vector<16xf32>
      %swap3A_95 = arith.index_cast %scan3A_58 : i32 to index
      %swap3A_96 = arith.constant 112 : index
      %swap3A_97 = tpu.vector_load %arg7[%swap3A_95, %swap3A_96] {strides = array<i32>} : memref<64x128xf32, #tpu.memory_space<vmem>>, vector<16xf32>,
      tpu.vector_store %arg7[%swap3A_95, %swap3A_96], %broadcast_in_dim3A_94 {strides = array<i32>} : memref<64x128xf32, #tpu.memory_space<vmem>>, vector<16xf32>,
      %scan3A_98 = arith.constant 0 : i32
      scf.yield %scan3A_98 : i32
    }
    %scan3A_42 = arith.constant 64 : i32
    %scan3A_43 = arith.constant 0 : i32
    %scan3A_44 = arith.constant 0 : i32
    %scan3A_45 = arith.constant 8 : i32
    %scan3A_46 = arith.addi %scan3A_44, %scan3A_45 : i32
    %scan3A_47 = arith.constant 1 : i32
    %scan3A_48 = scf.for %scan3A_58 = %scan3A_44 to %scan3A_46 step %scan3A_47 iter_args(%scan3A_59 = %scan3A_43) -> (i32)  : i32 {
      %mul3A_60 = arith.constant 128 : i32
      %mul3A_61 = arith.muli %scan3A_58, %mul3A_60 : i32
      %add3A_62 = arith.addi %add3A_36, %mul3A_61 : i32
      "tpu.region"() ({
        %run_scoped3A = tpu.sem_alloc : memref<!tpu.dma_semaphore, #tpu.memory_space<semaphore_mem>>
        %dma_start3A = arith.constant 0 : i32
        %dma_start3A_71 = tpu.memref_slice %arg3[%dma_start3A, %add3A_62] : memref<64x100000xf32, #tpu.memory_space<hbm>> -> memref<64x128xf32, #tpu.memory_space<hbm>>
        %dma_start3A_72 = arith.constant 0 : i32
        %dma_start3A_73 = tpu.memref_slice %arg3[%dma_start3A_72, %add3A_62] : memref<64x100000xf32, #tpu.memory_space<hbm>> -> memref<64x128xf32, #tpu.memory_space<hbm>>
        tpu.enqueue_dma source(%dma_start3A_73 : memref<64x128xf32, #tpu.memory_space<hbm>>) target(%arg6 : memref<64x128xf32, #tpu.memory_space<vmem>>) target_semaphore(%run_scoped3A : memref<!tpu.dma_semaphore, #tpu.memory_space<semaphore_mem>>)
        %dma_wait3A = arith.constant 0 : i32
        %dma_wait3A_74 = tpu.memref_slice %arg3[%dma_wait3A, %add3A_62] : memref<64x100000xf32, #tpu.memory_space<hbm>> -> memref<64x128xf32, #tpu.memory_space<hbm>>
        %dma_wait3A_75 = arith.constant 0 : i32
        %dma_wait3A_76 = tpu.memref_slice %arg3[%dma_wait3A_75, %add3A_62] : memref<64x100000xf32, #tpu.memory_space<hbm>> -> memref<64x128xf32, #tpu.memory_space<hbm>>
        tpu.wait_dma2 semaphore(%run_scoped3A : memref<!tpu.dma_semaphore, #tpu.memory_space<semaphore_mem>>) src(%dma_wait3A_76 : memref<64x128xf32, #tpu.memory_space<hbm>>) dst(%arg6 : memref<64x128xf32, #tpu.memory_space<vmem>>)
        tpu.yield
      }) : () -> ()
      "tpu.region"() ({
        %run_scoped3A = tpu.sem_alloc : memref<!tpu.dma_semaphore, #tpu.memory_space<semaphore_mem>>
        %dma_start3A = tpu.memref_slice %arg2[%add3A_62, %mul3A_29] : memref<100000x1024xf32, #tpu.memory_space<hbm>> -> memref<128x128xf32, #tpu.memory_space<hbm>>
        %dma_start3A_71 = tpu.memref_slice %arg2[%add3A_62, %mul3A_29] : memref<100000x1024xf32, #tpu.memory_space<hbm>> -> memref<128x128xf32, #tpu.memory_space<hbm>>
        tpu.enqueue_dma source(%dma_start3A_71 : memref<128x128xf32, #tpu.memory_space<hbm>>) target(%arg5 : memref<128x128xf32, #tpu.memory_space<vmem>>) target_semaphore(%run_scoped3A : memref<!tpu.dma_semaphore, #tpu.memory_space<semaphore_mem>>)
        %dma_wait3A = tpu.memref_slice %arg2[%add3A_62, %mul3A_29] : memref<100000x1024xf32, #tpu.memory_space<hbm>> -> memref<128x128xf32, #tpu.memory_space<hbm>>
        %dma_wait3A_72 = tpu.memref_slice %arg2[%add3A_62, %mul3A_29] : memref<100000x1024xf32, #tpu.memory_space<hbm>> -> memref<128x128xf32, #tpu.memory_space<hbm>>
        tpu.wait_dma2 semaphore(%run_scoped3A : memref<!tpu.dma_semaphore, #tpu.memory_space<semaphore_mem>>) src(%dma_wait3A_72 : memref<128x128xf32, #tpu.memory_space<hbm>>) dst(%arg5 : memref<128x128xf32, #tpu.memory_space<vmem>>)
        tpu.yield
      }) : () -> ()
      %scan3A_63 = arith.constant 0 : i32
      %scan3A_64 = arith.constant 0 : i32
      %scan3A_65 = arith.constant 128 : i32
      %scan3A_66 = arith.addi %scan3A_64, %scan3A_65 : i32
      %scan3A_67 = arith.constant 1 : i32
      %scan3A_68 = scf.for %scan3A_71 = %scan3A_64 to %scan3A_66 step %scan3A_67 iter_args(%scan3A_72 = %scan3A_63) -> (i32)  : i32 {
        %scan3A_73 = arith.constant 0 : i32
        %scan3A_74 = arith.constant 0 : i32
        %scan3A_75 = arith.constant 8 : i32
        %scan3A_76 = arith.addi %scan3A_74, %scan3A_75 : i32
        %scan3A_77 = arith.constant 1 : i32
        %scan3A_78 = scf.for %scan3A_85 = %scan3A_74 to %scan3A_76 step %scan3A_77 iter_args(%scan3A_86 = %scan3A_73) -> (i32)  : i32 {
          %mul3A_87 = arith.constant 16 : i32
          %mul3A_88 = arith.muli %scan3A_85, %mul3A_87 : i32
          %get3A = arith.index_cast %scan3A_71 : i32 to index
          %get3A_89 = arith.index_cast %mul3A_88 : i32 to index
          %get3A_90 = tpu.vector_load %arg5[%get3A, %get3A_89] {strides = array<i32>} : memref<128x128xf32, #tpu.memory_space<vmem>>, vector<16xf32>,
          %ne3A_91 = arith.constant 0.000000e+00 : f32
          %ne3A_92 = vector.broadcast %ne3A_91 : f32 to vector<16xf32>
          %ne3A_93 = arith.cmpf one, %get3A_90, %ne3A_92 : vector<16xf32>
          %swap3A = arith.index_cast %scan3A_86 : i32 to index
          %swap3A_94 = tpu.vector_load %arg9[%swap3A] masked %ne3A_93 {strides = array<i32>} : memref<144xf32, #tpu.memory_space<vmem>>, vector<16xf32>, vector<16xi1>
          tpu.vector_store %arg9[%swap3A], %get3A_90 masked %ne3A_93 {strides = array<i32>} : memref<144xf32, #tpu.memory_space<vmem>>, vector<16xf32>, vector<16xi1>
          %mul3A_95 = arith.constant 16 : i32
          %mul3A_96 = arith.muli %scan3A_85, %mul3A_95 : i32
          %add3A_97 = vector.broadcast %mul3A_96 : i32 to vector<16xi32>
          %add3A_98 = arith.addi %add3A_97, %iota3A : vector<16xi32>
          %swap3A_99 = arith.index_cast %scan3A_86 : i32 to index
          %swap3A_100 = tpu.vector_load %arg10[%swap3A_99] masked %ne3A_93 {strides = array<i32>} : memref<144xi32, #tpu.memory_space<vmem>>, vector<16xi32>, vector<16xi1>
          tpu.vector_store %arg10[%swap3A_99], %add3A_98 masked %ne3A_93 {strides = array<i32>} : memref<144xi32, #tpu.memory_space<vmem>>, vector<16xi32>, vector<16xi1>
          %all_reduce_population_count3A = tpu.all_reduce %ne3A_93 {dim = 0 : i64, kind = #tpu.reduction_kind<sum>} : vector<16xi1> -> vector<16xi32>
          %slice3A = vector.extract_strided_slice %all_reduce_population_count3A {offsets = [0], sizes = [1], strides = [1]} : vector<16xi32> to vector<1xi32>
          %squeeze3A = vector.extract %slice3A[0] : i32 from vector<1xi32>
          %add3A_101 = arith.addi %scan3A_86, %squeeze3A : i32
          scf.yield %add3A_101 : i32
        }
        %scan3A_79 = arith.constant 8 : i32
        %gt3A = arith.constant 0 : i32
        %gt3A_80 = arith.cmpi sgt, %scan3A_78, %gt3A : i32
        %convert_element_type3A_81 = arith.extui %gt3A_80 : i1 to i32
        %cond3A_82 = arith.constant 0 : i32
        %cond3A_83 = arith.cmpi ne, %convert_element_type3A_81, %cond3A_82 : i32
        scf.if %cond3A_83 {
          %broadcast_in_dim3A = vector.broadcast %scan3A_71 : i32 to vector<16xi32>
          %add3A_85 = arith.constant 0 : i32
          %add3A_86 = vector.broadcast %add3A_85 : i32 to vector<16xi32>
          %add3A_87 = arith.addi %add3A_86, %iota3A : vector<16xi32>
          %gather3A = tpu.vector_load_idx %arg6[%add3A_87, %broadcast_in_dim3A] : memref<64x128xf32, #tpu.memory_space<vmem>>[vector<16xi32>, vector<16xi32>], vector<16xf32>,
          %add3A_88 = arith.constant 16 : i32
          %add3A_89 = vector.broadcast %add3A_88 : i32 to vector<16xi32>
          %add3A_90 = arith.addi %add3A_89, %iota3A : vector<16xi32>
          %gather3A_91 = tpu.vector_load_idx %arg6[%add3A_90, %broadcast_in_dim3A] : memref<64x128xf32, #tpu.memory_space<vmem>>[vector<16xi32>, vector<16xi32>], vector<16xf32>,
          %add3A_92 = arith.constant 32 : i32
          %add3A_93 = vector.broadcast %add3A_92 : i32 to vector<16xi32>
          %add3A_94 = arith.addi %add3A_93, %iota3A : vector<16xi32>
          %gather3A_95 = tpu.vector_load_idx %arg6[%add3A_94, %broadcast_in_dim3A] : memref<64x128xf32, #tpu.memory_space<vmem>>[vector<16xi32>, vector<16xi32>], vector<16xf32>,
          %add3A_96 = arith.constant 48 : i32
          %add3A_97 = vector.broadcast %add3A_96 : i32 to vector<16xi32>
          %add3A_98 = arith.addi %add3A_97, %iota3A : vector<16xi32>
          %gather3A_99 = tpu.vector_load_idx %arg6[%add3A_98, %broadcast_in_dim3A] : memref<64x128xf32, #tpu.memory_space<vmem>>[vector<16xi32>, vector<16xi32>], vector<16xf32>,
          %while3A = arith.constant 0 : i32
          %while3A_100 = arith.constant 0 : i32
          %while3A_101 = arith.subi %scan3A_78, %while3A : i32
          %while3A_102 = arith.addi %while3A, %while3A_101 : i32
          %while3A_103 = arith.constant 1 : i32
          %while3A_104 = arith.divsi %while3A_101, %while3A_103 : i32
          %while3A_105 = arith.muli %while3A_104, %while3A_103 : i32
          %while3A_106 = arith.addi %while3A, %while3A_105 : i32
          %while3A_107 = arith.constant 1 : i32
          %while3A_108 = scf.for %while3A_111 = %while3A to %while3A_106 step %while3A_107 iter_args(%while3A_112 = %while3A_100) -> (i32)  : i32 {
            %broadcast_in_dim3A_113 = vector.broadcast %while3A_111 : i32 to vector<16xi32>
            %gather3A_114 = tpu.vector_load_idx %arg10[%broadcast_in_dim3A_113] : memref<144xi32, #tpu.memory_space<vmem>>[vector<16xi32>], vector<16xi32>,
            %gather3A_115 = tpu.vector_load_idx %arg9[%broadcast_in_dim3A_113] : memref<144xf32, #tpu.memory_space<vmem>>[vector<16xi32>], vector<16xf32>,
            %add3A_116 = arith.constant 0 : i32
            %add3A_117 = vector.broadcast %add3A_116 : i32 to vector<16xi32>
            %add3A_118 = arith.addi %add3A_117, %iota3A : vector<16xi32>
            %mul3A_119 = arith.mulf %gather3A_115, %gather3A : vector<16xf32>
            tpu.vector_store_idx %arg7[%add3A_118, %gather3A_114], %mul3A_119 {add = true} : memref<64x128xf32, #tpu.memory_space<vmem>>[vector<16xi32>, vector<16xi32>], vector<16xf32>,
            %add3A_120 = arith.constant 16 : i32
            %add3A_121 = vector.broadcast %add3A_120 : i32 to vector<16xi32>
            %add3A_122 = arith.addi %add3A_121, %iota3A : vector<16xi32>
            %mul3A_123 = arith.mulf %gather3A_115, %gather3A_91 : vector<16xf32>
            tpu.vector_store_idx %arg7[%add3A_122, %gather3A_114], %mul3A_123 {add = true} : memref<64x128xf32, #tpu.memory_space<vmem>>[vector<16xi32>, vector<16xi32>], vector<16xf32>,
            %add3A_124 = arith.constant 32 : i32
            %add3A_125 = vector.broadcast %add3A_124 : i32 to vector<16xi32>
            %add3A_126 = arith.addi %add3A_125, %iota3A : vector<16xi32>
            %mul3A_127 = arith.mulf %gather3A_115, %gather3A_95 : vector<16xf32>
            tpu.vector_store_idx %arg7[%add3A_126, %gather3A_114], %mul3A_127 {add = true} : memref<64x128xf32, #tpu.memory_space<vmem>>[vector<16xi32>, vector<16xi32>], vector<16xf32>,
            %add3A_128 = arith.constant 48 : i32
            %add3A_129 = vector.broadcast %add3A_128 : i32 to vector<16xi32>
            %add3A_130 = arith.addi %add3A_129, %iota3A : vector<16xi32>
            %mul3A_131 = arith.mulf %gather3A_115, %gather3A_99 : vector<16xf32>
            tpu.vector_store_idx %arg7[%add3A_130, %gather3A_114], %mul3A_131 {add = true} : memref<64x128xf32, #tpu.memory_space<vmem>>[vector<16xi32>, vector<16xi32>], vector<16xf32>,
            %while3A_132 = arith.constant 0 : i32
            scf.yield %while3A_132 : i32
          }
          %while3A_109 = arith.constant 1 : i32
          %while3A_110 = scf.for %while3A_111 = %while3A_106 to %while3A_102 step %while3A_109 iter_args(%while3A_112 = %while3A_108) -> (i32)  : i32 {
            %broadcast_in_dim3A_113 = vector.broadcast %while3A_111 : i32 to vector<16xi32>
            %gather3A_114 = tpu.vector_load_idx %arg10[%broadcast_in_dim3A_113] : memref<144xi32, #tpu.memory_space<vmem>>[vector<16xi32>], vector<16xi32>,
            %gather3A_115 = tpu.vector_load_idx %arg9[%broadcast_in_dim3A_113] : memref<144xf32, #tpu.memory_space<vmem>>[vector<16xi32>], vector<16xf32>,
            %add3A_116 = arith.constant 0 : i32
            %add3A_117 = vector.broadcast %add3A_116 : i32 to vector<16xi32>
            %add3A_118 = arith.addi %add3A_117, %iota3A : vector<16xi32>
            %mul3A_119 = arith.mulf %gather3A_115, %gather3A : vector<16xf32>
            tpu.vector_store_idx %arg7[%add3A_118, %gather3A_114], %mul3A_119 {add = true} : memref<64x128xf32, #tpu.memory_space<vmem>>[vector<16xi32>, vector<16xi32>], vector<16xf32>,
            %add3A_120 = arith.constant 16 : i32
            %add3A_121 = vector.broadcast %add3A_120 : i32 to vector<16xi32>
            %add3A_122 = arith.addi %add3A_121, %iota3A : vector<16xi32>
            %mul3A_123 = arith.mulf %gather3A_115, %gather3A_91 : vector<16xf32>
            tpu.vector_store_idx %arg7[%add3A_122, %gather3A_114], %mul3A_123 {add = true} : memref<64x128xf32, #tpu.memory_space<vmem>>[vector<16xi32>, vector<16xi32>], vector<16xf32>,
            %add3A_124 = arith.constant 32 : i32
            %add3A_125 = vector.broadcast %add3A_124 : i32 to vector<16xi32>
            %add3A_126 = arith.addi %add3A_125, %iota3A : vector<16xi32>
            %mul3A_127 = arith.mulf %gather3A_115, %gather3A_95 : vector<16xf32>
            tpu.vector_store_idx %arg7[%add3A_126, %gather3A_114], %mul3A_127 {add = true} : memref<64x128xf32, #tpu.memory_space<vmem>>[vector<16xi32>, vector<16xi32>], vector<16xf32>,
            %add3A_128 = arith.constant 48 : i32
            %add3A_129 = vector.broadcast %add3A_128 : i32 to vector<16xi32>
            %add3A_130 = arith.addi %add3A_129, %iota3A : vector<16xi32>
            %mul3A_131 = arith.mulf %gather3A_115, %gather3A_99 : vector<16xf32>
            tpu.vector_store_idx %arg7[%add3A_130, %gather3A_114], %mul3A_131 {add = true} : memref<64x128xf32, #tpu.memory_space<vmem>>[vector<16xi32>, vector<16xi32>], vector<16xf32>,
            %while3A_132 = arith.constant 0 : i32
            scf.yield %while3A_132 : i32
          }
        } else {
        }
        %scan3A_84 = arith.constant 0 : i32
        scf.yield %scan3A_84 : i32
      }
      %scan3A_69 = arith.constant 128 : i32
      %scan3A_70 = arith.constant 0 : i32
      scf.yield %scan3A_70 : i32
    }
    %scan3A_49 = arith.constant 8 : i32
    %eq3A_50 = arith.constant 1 : i32
    %eq3A_51 = arith.cmpi eq, %select_n3A_28, %eq3A_50 : i32
    %convert_element_type3A = arith.extui %eq3A_51 : i1 to i32
    %cond3A = arith.constant 0 : i32
    %cond3A_52 = arith.cmpi ne, %convert_element_type3A, %cond3A : i32
    scf.if %cond3A_52 {
      "tpu.region"() ({
        %run_scoped3A = tpu.sem_alloc : memref<!tpu.dma_semaphore, #tpu.memory_space<semaphore_mem>>
        %dma_start3A = arith.constant 0 : i32
        %dma_start3A_58 = arith.constant 0 : i32
        %dma_start3A_59 = tpu.memref_slice %arg11[%select_n3A_7, %dma_start3A, %dma_start3A_58] : memref<8x64x128xf32, #tpu.memory_space<vmem_shared>> -> memref<1x64x128xf32, #tpu.memory_space<vmem_shared>>
        %dma_start3A_60 = tpu.memref_squeeze %dma_start3A_59 : memref<1x64x128xf32, #tpu.memory_space<vmem_shared>> -> memref<64x128xf32, #tpu.memory_space<vmem_shared>>
        %dma_start3A_61 = arith.constant 0 : i32
        %dma_start3A_62 = arith.constant 0 : i32
        %dma_start3A_63 = tpu.memref_slice %arg11[%select_n3A_7, %dma_start3A_61, %dma_start3A_62] : memref<8x64x128xf32, #tpu.memory_space<vmem_shared>> -> memref<1x64x128xf32, #tpu.memory_space<vmem_shared>>
        %dma_start3A_64 = tpu.memref_squeeze %dma_start3A_63 : memref<1x64x128xf32, #tpu.memory_space<vmem_shared>> -> memref<64x128xf32, #tpu.memory_space<vmem_shared>>
        tpu.enqueue_dma source(%arg7 : memref<64x128xf32, #tpu.memory_space<vmem>>) target(%dma_start3A_64 : memref<64x128xf32, #tpu.memory_space<vmem_shared>>) target_semaphore(%run_scoped3A : memref<!tpu.dma_semaphore, #tpu.memory_space<semaphore_mem>>)
        %dma_wait3A = arith.constant 0 : i32
        %dma_wait3A_65 = arith.constant 0 : i32
        %dma_wait3A_66 = tpu.memref_slice %arg11[%select_n3A_7, %dma_wait3A, %dma_wait3A_65] : memref<8x64x128xf32, #tpu.memory_space<vmem_shared>> -> memref<1x64x128xf32, #tpu.memory_space<vmem_shared>>
        %dma_wait3A_67 = tpu.memref_squeeze %dma_wait3A_66 : memref<1x64x128xf32, #tpu.memory_space<vmem_shared>> -> memref<64x128xf32, #tpu.memory_space<vmem_shared>>
        %dma_wait3A_68 = arith.constant 0 : i32
        %dma_wait3A_69 = arith.constant 0 : i32
        %dma_wait3A_70 = tpu.memref_slice %arg11[%select_n3A_7, %dma_wait3A_68, %dma_wait3A_69] : memref<8x64x128xf32, #tpu.memory_space<vmem_shared>> -> memref<1x64x128xf32, #tpu.memory_space<vmem_shared>>
        %dma_wait3A_71 = tpu.memref_squeeze %dma_wait3A_70 : memref<1x64x128xf32, #tpu.memory_space<vmem_shared>> -> memref<64x128xf32, #tpu.memory_space<vmem_shared>>
        tpu.wait_dma2 semaphore(%run_scoped3A : memref<!tpu.dma_semaphore, #tpu.memory_space<semaphore_mem>>) src(%arg7 : memref<64x128xf32, #tpu.memory_space<vmem>>) dst(%dma_wait3A_71 : memref<64x128xf32, #tpu.memory_space<vmem_shared>>)
        tpu.yield
      }) : () -> ()
    } else {
    }
    %barrier3A = arith.constant 0 : index
    tpu.barrier barrier_id(%barrier3A)
    %eq3A_53 = arith.constant 0 : i32
    %eq3A_54 = arith.cmpi eq, %select_n3A_28, %eq3A_53 : i32
    %convert_element_type3A_55 = arith.extui %eq3A_54 : i1 to i32
    %cond3A_56 = arith.constant 0 : i32
    %cond3A_57 = arith.cmpi ne, %convert_element_type3A_55, %cond3A_56 : i32
    scf.if %cond3A_57 {
      "tpu.region"() ({
        %run_scoped3A = tpu.sem_alloc : memref<!tpu.dma_semaphore, #tpu.memory_space<semaphore_mem>>
        %dma_start3A = arith.constant 0 : i32
        %dma_start3A_65 = arith.constant 0 : i32
        %dma_start3A_66 = tpu.memref_slice %arg11[%select_n3A_7, %dma_start3A, %dma_start3A_65] : memref<8x64x128xf32, #tpu.memory_space<vmem_shared>> -> memref<1x64x128xf32, #tpu.memory_space<vmem_shared>>
        %dma_start3A_67 = tpu.memref_squeeze %dma_start3A_66 : memref<1x64x128xf32, #tpu.memory_space<vmem_shared>> -> memref<64x128xf32, #tpu.memory_space<vmem_shared>>
        %dma_start3A_68 = arith.constant 0 : i32
        %dma_start3A_69 = arith.constant 0 : i32
        %dma_start3A_70 = tpu.memref_slice %arg11[%select_n3A_7, %dma_start3A_68, %dma_start3A_69] : memref<8x64x128xf32, #tpu.memory_space<vmem_shared>> -> memref<1x64x128xf32, #tpu.memory_space<vmem_shared>>
        %dma_start3A_71 = tpu.memref_squeeze %dma_start3A_70 : memref<1x64x128xf32, #tpu.memory_space<vmem_shared>> -> memref<64x128xf32, #tpu.memory_space<vmem_shared>>
        tpu.enqueue_dma source(%dma_start3A_71 : memref<64x128xf32, #tpu.memory_space<vmem_shared>>) target(%arg8 : memref<64x128xf32, #tpu.memory_space<vmem>>) target_semaphore(%run_scoped3A : memref<!tpu.dma_semaphore, #tpu.memory_space<semaphore_mem>>)
        %dma_wait3A = arith.constant 0 : i32
        %dma_wait3A_72 = arith.constant 0 : i32
        %dma_wait3A_73 = tpu.memref_slice %arg11[%select_n3A_7, %dma_wait3A, %dma_wait3A_72] : memref<8x64x128xf32, #tpu.memory_space<vmem_shared>> -> memref<1x64x128xf32, #tpu.memory_space<vmem_shared>>
        %dma_wait3A_74 = tpu.memref_squeeze %dma_wait3A_73 : memref<1x64x128xf32, #tpu.memory_space<vmem_shared>> -> memref<64x128xf32, #tpu.memory_space<vmem_shared>>
        %dma_wait3A_75 = arith.constant 0 : i32
        %dma_wait3A_76 = arith.constant 0 : i32
        %dma_wait3A_77 = tpu.memref_slice %arg11[%select_n3A_7, %dma_wait3A_75, %dma_wait3A_76] : memref<8x64x128xf32, #tpu.memory_space<vmem_shared>> -> memref<1x64x128xf32, #tpu.memory_space<vmem_shared>>
        %dma_wait3A_78 = tpu.memref_squeeze %dma_wait3A_77 : memref<1x64x128xf32, #tpu.memory_space<vmem_shared>> -> memref<64x128xf32, #tpu.memory_space<vmem_shared>>
        tpu.wait_dma2 semaphore(%run_scoped3A : memref<!tpu.dma_semaphore, #tpu.memory_space<semaphore_mem>>) src(%dma_wait3A_78 : memref<64x128xf32, #tpu.memory_space<vmem_shared>>) dst(%arg8 : memref<64x128xf32, #tpu.memory_space<vmem>>)
        tpu.yield
      }) : () -> ()
      %scan3A_58 = arith.constant 0 : i32
      %scan3A_59 = arith.constant 0 : i32
      %scan3A_60 = arith.constant 64 : i32
      %scan3A_61 = arith.addi %scan3A_59, %scan3A_60 : i32
      %scan3A_62 = arith.constant 1 : i32
      %scan3A_63 = scf.for %scan3A_65 = %scan3A_59 to %scan3A_61 step %scan3A_62 iter_args(%scan3A_66 = %scan3A_58) -> (i32)  : i32 {
        %get3A = arith.index_cast %scan3A_65 : i32 to index
        %get3A_67 = arith.constant 0 : index
        %get3A_68 = tpu.vector_load %arg7[%get3A, %get3A_67] {strides = array<i32>} : memref<64x128xf32, #tpu.memory_space<vmem>>, vector<16xf32>,
        %get3A_69 = arith.index_cast %scan3A_65 : i32 to index
        %get3A_70 = arith.constant 0 : index
        %get3A_71 = tpu.vector_load %arg8[%get3A_69, %get3A_70] {strides = array<i32>} : memref<64x128xf32, #tpu.memory_space<vmem>>, vector<16xf32>,
        %add3A_72 = arith.addf %get3A_68, %get3A_71 : vector<16xf32>
        %swap3A = arith.index_cast %scan3A_65 : i32 to index
        %swap3A_73 = arith.constant 0 : index
        %swap3A_74 = tpu.vector_load %arg7[%swap3A, %swap3A_73] {strides = array<i32>} : memref<64x128xf32, #tpu.memory_space<vmem>>, vector<16xf32>,
        tpu.vector_store %arg7[%swap3A, %swap3A_73], %add3A_72 {strides = array<i32>} : memref<64x128xf32, #tpu.memory_space<vmem>>, vector<16xf32>,
        %get3A_75 = arith.index_cast %scan3A_65 : i32 to index
        %get3A_76 = arith.constant 16 : index
        %get3A_77 = tpu.vector_load %arg7[%get3A_75, %get3A_76] {strides = array<i32>} : memref<64x128xf32, #tpu.memory_space<vmem>>, vector<16xf32>,
        %get3A_78 = arith.index_cast %scan3A_65 : i32 to index
        %get3A_79 = arith.constant 16 : index
        %get3A_80 = tpu.vector_load %arg8[%get3A_78, %get3A_79] {strides = array<i32>} : memref<64x128xf32, #tpu.memory_space<vmem>>, vector<16xf32>,
        %add3A_81 = arith.addf %get3A_77, %get3A_80 : vector<16xf32>
        %swap3A_82 = arith.index_cast %scan3A_65 : i32 to index
        %swap3A_83 = arith.constant 16 : index
        %swap3A_84 = tpu.vector_load %arg7[%swap3A_82, %swap3A_83] {strides = array<i32>} : memref<64x128xf32, #tpu.memory_space<vmem>>, vector<16xf32>,
        tpu.vector_store %arg7[%swap3A_82, %swap3A_83], %add3A_81 {strides = array<i32>} : memref<64x128xf32, #tpu.memory_space<vmem>>, vector<16xf32>,
        %get3A_85 = arith.index_cast %scan3A_65 : i32 to index
        %get3A_86 = arith.constant 32 : index
        %get3A_87 = tpu.vector_load %arg7[%get3A_85, %get3A_86] {strides = array<i32>} : memref<64x128xf32, #tpu.memory_space<vmem>>, vector<16xf32>,
        %get3A_88 = arith.index_cast %scan3A_65 : i32 to index
        %get3A_89 = arith.constant 32 : index
        %get3A_90 = tpu.vector_load %arg8[%get3A_88, %get3A_89] {strides = array<i32>} : memref<64x128xf32, #tpu.memory_space<vmem>>, vector<16xf32>,
        %add3A_91 = arith.addf %get3A_87, %get3A_90 : vector<16xf32>
        %swap3A_92 = arith.index_cast %scan3A_65 : i32 to index
        %swap3A_93 = arith.constant 32 : index
        %swap3A_94 = tpu.vector_load %arg7[%swap3A_92, %swap3A_93] {strides = array<i32>} : memref<64x128xf32, #tpu.memory_space<vmem>>, vector<16xf32>,
        tpu.vector_store %arg7[%swap3A_92, %swap3A_93], %add3A_91 {strides = array<i32>} : memref<64x128xf32, #tpu.memory_space<vmem>>, vector<16xf32>,
        %get3A_95 = arith.index_cast %scan3A_65 : i32 to index
        %get3A_96 = arith.constant 48 : index
        %get3A_97 = tpu.vector_load %arg7[%get3A_95, %get3A_96] {strides = array<i32>} : memref<64x128xf32, #tpu.memory_space<vmem>>, vector<16xf32>,
        %get3A_98 = arith.index_cast %scan3A_65 : i32 to index
        %get3A_99 = arith.constant 48 : index
        %get3A_100 = tpu.vector_load %arg8[%get3A_98, %get3A_99] {strides = array<i32>} : memref<64x128xf32, #tpu.memory_space<vmem>>, vector<16xf32>,
        %add3A_101 = arith.addf %get3A_97, %get3A_100 : vector<16xf32>
        %swap3A_102 = arith.index_cast %scan3A_65 : i32 to index
        %swap3A_103 = arith.constant 48 : index
        %swap3A_104 = tpu.vector_load %arg7[%swap3A_102, %swap3A_103] {strides = array<i32>} : memref<64x128xf32, #tpu.memory_space<vmem>>, vector<16xf32>,
        tpu.vector_store %arg7[%swap3A_102, %swap3A_103], %add3A_101 {strides = array<i32>} : memref<64x128xf32, #tpu.memory_space<vmem>>, vector<16xf32>,
        %get3A_105 = arith.index_cast %scan3A_65 : i32 to index
        %get3A_106 = arith.constant 64 : index
        %get3A_107 = tpu.vector_load %arg7[%get3A_105, %get3A_106] {strides = array<i32>} : memref<64x128xf32, #tpu.memory_space<vmem>>, vector<16xf32>,
        %get3A_108 = arith.index_cast %scan3A_65 : i32 to index
        %get3A_109 = arith.constant 64 : index
        %get3A_110 = tpu.vector_load %arg8[%get3A_108, %get3A_109] {strides = array<i32>} : memref<64x128xf32, #tpu.memory_space<vmem>>, vector<16xf32>,
        %add3A_111 = arith.addf %get3A_107, %get3A_110 : vector<16xf32>
        %swap3A_112 = arith.index_cast %scan3A_65 : i32 to index
        %swap3A_113 = arith.constant 64 : index
        %swap3A_114 = tpu.vector_load %arg7[%swap3A_112, %swap3A_113] {strides = array<i32>} : memref<64x128xf32, #tpu.memory_space<vmem>>, vector<16xf32>,
        tpu.vector_store %arg7[%swap3A_112, %swap3A_113], %add3A_111 {strides = array<i32>} : memref<64x128xf32, #tpu.memory_space<vmem>>, vector<16xf32>,
        %get3A_115 = arith.index_cast %scan3A_65 : i32 to index
        %get3A_116 = arith.constant 80 : index
        %get3A_117 = tpu.vector_load %arg7[%get3A_115, %get3A_116] {strides = array<i32>} : memref<64x128xf32, #tpu.memory_space<vmem>>, vector<16xf32>,
        %get3A_118 = arith.index_cast %scan3A_65 : i32 to index
        %get3A_119 = arith.constant 80 : index
        %get3A_120 = tpu.vector_load %arg8[%get3A_118, %get3A_119] {strides = array<i32>} : memref<64x128xf32, #tpu.memory_space<vmem>>, vector<16xf32>,
        %add3A_121 = arith.addf %get3A_117, %get3A_120 : vector<16xf32>
        %swap3A_122 = arith.index_cast %scan3A_65 : i32 to index
        %swap3A_123 = arith.constant 80 : index
        %swap3A_124 = tpu.vector_load %arg7[%swap3A_122, %swap3A_123] {strides = array<i32>} : memref<64x128xf32, #tpu.memory_space<vmem>>, vector<16xf32>,
        tpu.vector_store %arg7[%swap3A_122, %swap3A_123], %add3A_121 {strides = array<i32>} : memref<64x128xf32, #tpu.memory_space<vmem>>, vector<16xf32>,
        %get3A_125 = arith.index_cast %scan3A_65 : i32 to index
        %get3A_126 = arith.constant 96 : index
        %get3A_127 = tpu.vector_load %arg7[%get3A_125, %get3A_126] {strides = array<i32>} : memref<64x128xf32, #tpu.memory_space<vmem>>, vector<16xf32>,
        %get3A_128 = arith.index_cast %scan3A_65 : i32 to index
        %get3A_129 = arith.constant 96 : index
        %get3A_130 = tpu.vector_load %arg8[%get3A_128, %get3A_129] {strides = array<i32>} : memref<64x128xf32, #tpu.memory_space<vmem>>, vector<16xf32>,
        %add3A_131 = arith.addf %get3A_127, %get3A_130 : vector<16xf32>
        %swap3A_132 = arith.index_cast %scan3A_65 : i32 to index
        %swap3A_133 = arith.constant 96 : index
        %swap3A_134 = tpu.vector_load %arg7[%swap3A_132, %swap3A_133] {strides = array<i32>} : memref<64x128xf32, #tpu.memory_space<vmem>>, vector<16xf32>,
        tpu.vector_store %arg7[%swap3A_132, %swap3A_133], %add3A_131 {strides = array<i32>} : memref<64x128xf32, #tpu.memory_space<vmem>>, vector<16xf32>,
        %get3A_135 = arith.index_cast %scan3A_65 : i32 to index
        %get3A_136 = arith.constant 112 : index
        %get3A_137 = tpu.vector_load %arg7[%get3A_135, %get3A_136] {strides = array<i32>} : memref<64x128xf32, #tpu.memory_space<vmem>>, vector<16xf32>,
        %get3A_138 = arith.index_cast %scan3A_65 : i32 to index
        %get3A_139 = arith.constant 112 : index
        %get3A_140 = tpu.vector_load %arg8[%get3A_138, %get3A_139] {strides = array<i32>} : memref<64x128xf32, #tpu.memory_space<vmem>>, vector<16xf32>,
        %add3A_141 = arith.addf %get3A_137, %get3A_140 : vector<16xf32>
        %swap3A_142 = arith.index_cast %scan3A_65 : i32 to index
        %swap3A_143 = arith.constant 112 : index
        %swap3A_144 = tpu.vector_load %arg7[%swap3A_142, %swap3A_143] {strides = array<i32>} : memref<64x128xf32, #tpu.memory_space<vmem>>, vector<16xf32>,
        tpu.vector_store %arg7[%swap3A_142, %swap3A_143], %add3A_141 {strides = array<i32>} : memref<64x128xf32, #tpu.memory_space<vmem>>, vector<16xf32>,
        %scan3A_145 = arith.constant 0 : i32
        scf.yield %scan3A_145 : i32
      }
      %scan3A_64 = arith.constant 64 : i32
      "tpu.region"() ({
        %run_scoped3A = tpu.sem_alloc : memref<!tpu.dma_semaphore, #tpu.memory_space<semaphore_mem>>
        %dma_start3A = arith.constant 0 : i32
        %dma_start3A_65 = tpu.memref_slice %arg4[%arg0, %dma_start3A, %mul3A_29] : memref<2x64x1024xf32, #tpu.memory_space<hbm>> -> memref<1x64x128xf32, #tpu.memory_space<hbm>>
        %dma_start3A_66 = tpu.memref_squeeze %dma_start3A_65 : memref<1x64x128xf32, #tpu.memory_space<hbm>> -> memref<64x128xf32, #tpu.memory_space<hbm>>
        %dma_start3A_67 = arith.constant 0 : i32
        %dma_start3A_68 = tpu.memref_slice %arg4[%arg0, %dma_start3A_67, %mul3A_29] : memref<2x64x1024xf32, #tpu.memory_space<hbm>> -> memref<1x64x128xf32, #tpu.memory_space<hbm>>
        %dma_start3A_69 = tpu.memref_squeeze %dma_start3A_68 : memref<1x64x128xf32, #tpu.memory_space<hbm>> -> memref<64x128xf32, #tpu.memory_space<hbm>>
        tpu.enqueue_dma source(%arg7 : memref<64x128xf32, #tpu.memory_space<vmem>>) target(%dma_start3A_69 : memref<64x128xf32, #tpu.memory_space<hbm>>) target_semaphore(%run_scoped3A : memref<!tpu.dma_semaphore, #tpu.memory_space<semaphore_mem>>)
        %dma_wait3A = arith.constant 0 : i32
        %dma_wait3A_70 = tpu.memref_slice %arg4[%arg0, %dma_wait3A, %mul3A_29] : memref<2x64x1024xf32, #tpu.memory_space<hbm>> -> memref<1x64x128xf32, #tpu.memory_space<hbm>>
        %dma_wait3A_71 = tpu.memref_squeeze %dma_wait3A_70 : memref<1x64x128xf32, #tpu.memory_space<hbm>> -> memref<64x128xf32, #tpu.memory_space<hbm>>
        %dma_wait3A_72 = arith.constant 0 : i32
        %dma_wait3A_73 = tpu.memref_slice %arg4[%arg0, %dma_wait3A_72, %mul3A_29] : memref<2x64x1024xf32, #tpu.memory_space<hbm>> -> memref<1x64x128xf32, #tpu.memory_space<hbm>>
        %dma_wait3A_74 = tpu.memref_squeeze %dma_wait3A_73 : memref<1x64x128xf32, #tpu.memory_space<hbm>> -> memref<64x128xf32, #tpu.memory_space<hbm>>
        tpu.wait_dma2 semaphore(%run_scoped3A : memref<!tpu.dma_semaphore, #tpu.memory_space<semaphore_mem>>) src(%arg7 : memref<64x128xf32, #tpu.memory_space<vmem>>) dst(%dma_wait3A_74 : memref<64x128xf32, #tpu.memory_space<hbm>>)
        tpu.yield
      }) : () -> ()
    } else {
    }
    return
  }
}

module attributes {stable_mosaic.version = 14 : i64} {
  func.func @_mm_body(%arg0: i32, %arg1: memref<2048x1024xf32, #tpu.memory_space<vmem>>, %arg2: memref<64x2048xf32, #tpu.memory_space<vmem>>, %arg3: memref<64x1xf32, #tpu.memory_space<vmem>>, %arg4: memref<64x1024xf32, #tpu.memory_space<vmem>>) attributes {dimension_semantics = [#tpu.dimension_semantics<arbitrary>], iteration_bounds = array<i64: 47>, scalar_prefetch = 0 : i64, scratch_operands = 0 : i64, tpu.core_type = #tpu.core_type<tc>, window_params = [{transform_indices = @transform_0, window_bounds = array<i64: 2048, 1024>}, {transform_indices = @transform_1, window_bounds = array<i64: 64, 2048>}, {pipeline_mode = #tpu.pipeline_mode<synchronous>, transform_indices = @transform_2, window_bounds = array<i64: 64, 1>}, {pipeline_mode = #tpu.pipeline_mode<synchronous>, transform_indices = @transform_3, window_bounds = array<i64: 64, 1024>}]} {
    %eq3A = arith.constant 0 : i32
    %eq3A_0 = arith.cmpi eq, %arg0, %eq3A : i32
    %convert_element_type3A = arith.extui %eq3A_0 : i1 to i32
    %cond3A = arith.constant 0 : i32
    %cond3A_1 = arith.cmpi ne, %convert_element_type3A, %cond3A : i32
    scf.if %cond3A_1 {
      %get3A = arith.constant 0 : index
      %get3A_11 = arith.constant 0 : index
      %get3A_12 = vector.load %arg3[%get3A, %get3A_11] : memref<64x1xf32, #tpu.memory_space<vmem>>, vector<64x1xf32>
      %broadcast_in_dim3A = vector.shape_cast %get3A_12 : vector<64x1xf32> to vector<64x1xf32>
      %broadcast_in_dim3A_13 = vector.broadcast %broadcast_in_dim3A : vector<64x1xf32> to vector<64x1024xf32>
      %swap3A = arith.constant 0 : index
      %swap3A_14 = arith.constant 0 : index
      %swap3A_15 = vector.load %arg4[%swap3A, %swap3A_14] : memref<64x1024xf32, #tpu.memory_space<vmem>>, vector<64x1024xf32>
      tpu.vector_store %arg4[%swap3A, %swap3A_14], %broadcast_in_dim3A_13 {strides = array<i32>} : memref<64x1024xf32, #tpu.memory_space<vmem>>, vector<64x1024xf32>,
    } else {
    }
    %lt3A = arith.constant 46 : i32
    %lt3A_2 = arith.cmpi slt, %arg0, %lt3A : i32
    %convert_element_type3A_3 = arith.extui %lt3A_2 : i1 to i32
    %cond3A_4 = arith.constant 0 : i32
    %cond3A_5 = arith.cmpi ne, %convert_element_type3A_3, %cond3A_4 : i32
    scf.if %cond3A_5 {
      %get3A = arith.constant 0 : index
      %get3A_11 = arith.constant 0 : index
      %get3A_12 = vector.load %arg4[%get3A, %get3A_11] : memref<64x1024xf32, #tpu.memory_space<vmem>>, vector<64x1024xf32>
      %get3A_13 = arith.constant 0 : index
      %get3A_14 = arith.constant 0 : index
      %get3A_15 = vector.load %arg2[%get3A_13, %get3A_14] : memref<64x2048xf32, #tpu.memory_space<vmem>>, vector<64x2048xf32>
      %get3A_16 = arith.constant 0 : index
      %get3A_17 = arith.constant 0 : index
      %get3A_18 = vector.load %arg1[%get3A_16, %get3A_17] : memref<2048x1024xf32, #tpu.memory_space<vmem>>, vector<2048x1024xf32>
      %dot_general3A = arith.constant dense<0.000000e+00> : vector<64x1024xf32>
      %dot_general3A_19 = tpu.matmul %get3A_15, %get3A_18, %dot_general3A {dimension_numbers = #tpu.dot_dimension_numbers<[1], [0], [0], [1], [0, 0, 1, 1], [], []>, transpose_lhs_hint = false} : vector<64x2048xf32>, vector<2048x1024xf32>, vector<64x1024xf32> -> vector<64x1024xf32>
      %add3A = arith.addf %get3A_12, %dot_general3A_19 : vector<64x1024xf32>
      %swap3A = arith.constant 0 : index
      %swap3A_20 = arith.constant 0 : index
      %swap3A_21 = vector.load %arg4[%swap3A, %swap3A_20] : memref<64x1024xf32, #tpu.memory_space<vmem>>, vector<64x1024xf32>
      tpu.vector_store %arg4[%swap3A, %swap3A_20], %add3A {strides = array<i32>} : memref<64x1024xf32, #tpu.memory_space<vmem>>, vector<64x1024xf32>,
    } else {
    }
    %eq3A_6 = arith.constant 46 : i32
    %eq3A_7 = arith.cmpi eq, %arg0, %eq3A_6 : i32
    %convert_element_type3A_8 = arith.extui %eq3A_7 : i1 to i32
    %cond3A_9 = arith.constant 0 : i32
    %cond3A_10 = arith.cmpi ne, %convert_element_type3A_8, %cond3A_9 : i32
    scf.if %cond3A_10 {
      %iota3A = tpu.iota {dimensions = array<i32: 0>} : vector<2048x1024xi32>
      %lt3A_11 = arith.constant 1696 : i32
      %lt3A_12 = vector.broadcast %lt3A_11 : i32 to vector<2048x1024xi32>
      %lt3A_13 = arith.cmpi slt, %iota3A, %lt3A_12 : vector<2048x1024xi32>
      %get3A = arith.constant 0 : index
      %get3A_14 = arith.constant 0 : index
      %get3A_15 = vector.load %arg1[%get3A, %get3A_14] : memref<2048x1024xf32, #tpu.memory_space<vmem>>, vector<2048x1024xf32>
      %jit3A = arith.constant 0.000000e+00 : f32
      %broadcast_in_dim3A = vector.broadcast %jit3A : f32 to vector<2048x1024xf32>
      %select_n3A = arith.select %lt3A_13, %get3A_15, %broadcast_in_dim3A : vector<2048x1024xi1>, vector<2048x1024xf32>
      %iota3A_16 = tpu.iota {dimensions = array<i32: 1>} : vector<64x2048xi32>
      %lt3A_17 = arith.constant 1696 : i32
      %lt3A_18 = vector.broadcast %lt3A_17 : i32 to vector<64x2048xi32>
      %lt3A_19 = arith.cmpi slt, %iota3A_16, %lt3A_18 : vector<64x2048xi32>
      %get3A_20 = arith.constant 0 : index
      %get3A_21 = arith.constant 0 : index
      %get3A_22 = vector.load %arg2[%get3A_20, %get3A_21] : memref<64x2048xf32, #tpu.memory_space<vmem>>, vector<64x2048xf32>
      %jit3A_23 = arith.constant 0.000000e+00 : f32
      %broadcast_in_dim3A_24 = vector.broadcast %jit3A_23 : f32 to vector<64x2048xf32>
      %select_n3A_25 = arith.select %lt3A_19, %get3A_22, %broadcast_in_dim3A_24 : vector<64x2048xi1>, vector<64x2048xf32>
      %get3A_26 = arith.constant 0 : index
      %get3A_27 = arith.constant 0 : index
      %get3A_28 = vector.load %arg4[%get3A_26, %get3A_27] : memref<64x1024xf32, #tpu.memory_space<vmem>>, vector<64x1024xf32>
      %dot_general3A = arith.constant dense<0.000000e+00> : vector<64x1024xf32>
      %dot_general3A_29 = tpu.matmul %select_n3A_25, %select_n3A, %dot_general3A {dimension_numbers = #tpu.dot_dimension_numbers<[1], [0], [0], [1], [0, 0, 1, 1], [], []>, transpose_lhs_hint = false} : vector<64x2048xf32>, vector<2048x1024xf32>, vector<64x1024xf32> -> vector<64x1024xf32>
      %add3A = arith.addf %get3A_28, %dot_general3A_29 : vector<64x1024xf32>
      %swap3A = arith.constant 0 : index
      %swap3A_30 = arith.constant 0 : index
      %swap3A_31 = vector.load %arg4[%swap3A, %swap3A_30] : memref<64x1024xf32, #tpu.memory_space<vmem>>, vector<64x1024xf32>
      tpu.vector_store %arg4[%swap3A, %swap3A_30], %add3A {strides = array<i32>} : memref<64x1024xf32, #tpu.memory_space<vmem>>, vector<64x1024xf32>,
    } else {
    }
    return
  }
  func.func @transform_0(%arg0: i32) -> (i32, i32) {
    %lt3A = arith.constant 46 : i32
    %lt3A_0 = arith.cmpi slt, %arg0, %lt3A : i32
    %jit3A = arith.constant 48 : i32
    %select_n3A = arith.select %lt3A_0, %arg0, %jit3A : i32
    %c0_i32 = arith.constant 0 : i32
    %c0_i32_1 = arith.constant 0 : i32
    return %select_n3A, %c0_i32 : i32, i32
  }
  func.func @transform_1(%arg0: i32) -> (i32, i32) {
    %lt3A = arith.constant 46 : i32
    %lt3A_0 = arith.cmpi slt, %arg0, %lt3A : i32
    %jit3A = arith.constant 48 : i32
    %select_n3A = arith.select %lt3A_0, %arg0, %jit3A : i32
    %c0_i32 = arith.constant 0 : i32
    %c0_i32_1 = arith.constant 0 : i32
    return %c0_i32, %select_n3A : i32, i32
  }
  func.func @transform_2(%arg0: i32) -> (i32, i32) {
    %c0_i32 = arith.constant 0 : i32
    %c0_i32_0 = arith.constant 0 : i32
    %c0_i32_1 = arith.constant 0 : i32
    return %c0_i32, %c0_i32_0 : i32, i32
  }
  func.func @transform_3(%arg0: i32) -> (i32, i32) {
    %c0_i32 = arith.constant 0 : i32
    %c0_i32_0 = arith.constant 0 : i32
    %c0_i32_1 = arith.constant 0 : i32
    return %c0_i32, %c0_i32_0 : i32, i32
  }
}

</mosaic_0001>

<sc_bundles>
// kernel: kernel.4.cloned.1.call-start
scs
__scs_entry_jumppad:
0x0: {  	(pc) =	sbr.rel $0x88, $3  }
0x1: {  	(tag) =	ssettag $0x0;
	lr =	simm.s32 $0x1  }
0x2: {  	[smem:$0x3F9E] =	sst lr;
	_ =	strace $0xD0000000  }
0x3: {  	_ = 	snop  }
0x4: {  	_ = 	snop  }
0x5: {  	_ = 	snop  }
0x6: {  	_ = 	snop  }
0x7: {  	_ = 	snop  }
__scs_overlays_trampoline_lowered:
0x8: {  	[smem:$0x3FAD] =	sst s0  }
0x9: {  	[smem:$0x3FAE] =	sst s1  }
0xa: {  	[smem:$0x3FAF] =	sst s2  }
0xb: {  	[smem:$0x3FB0] =	sst s3  }
0xc: {  	[smem:$0x3FB1] =	sst s4  }
0xd: {  	[smem:$0x3FB2] =	sst s5  }
0xe: {  	[smem:$0x3FB3] =	sst s6  }
0xf: {  	[smem:$0x3FB4] =	sst s7  }
0x10: {  	[smem:$0x3FB5] =	sst s8  }
0x11: {  	[smem:$0x3FB6] =	sst s9;
	s0 =	simm.s32 @!p0 $0x0  }
0x12: {  	s1 =	sld [smem:$0x3F9C];
	s0 =	simm.s32 @p0 $0x1  }
0x13: {  	[smem:$0x3FB7] =	sst s0;
	s0 =	simm.s32 @!p1 $0x0  }
0x14: {  	s2 =	sld [smem:$0x3F9B];
	s0 =	simm.s32 @p1 $0x1  }
0x15: {  	[smem:$0x3FB8] =	sst s0;
	s0 =	simm.s32 @!p2 $0x0  }
0x16: {  	s3 =	sld [smem:$0x3FDB];
	s0 =	simm.s32 @p2 $0x1  }
0x17: {  	s4 =	simm.s32 $0x1BF5;
	[smem:$0x3FBA] =	sst s0  }
0x18: {  	s0 =	sld [smem:$0x3F9D];
	_ =	swait.ge [sflag:s4], $0x0  }
0x19: {  	s7 =	sld [smem:$0x3F9E]  }
0x1a: {  	s8 =	sadd.s32 $0xFFFFE003, lr  }
0x1b: {  	s9 =	sadd.s32 $0xFFFFFEF7, lr;
	s5 =	simm.s32 $0xFFFFFFFF;
	p2 =	slt.u32 s8, $0xFFFFF086  }
0x1c: {  	p1 =	slt.u32 s9, $0xF7A;
	s5 =	simm.s32 @!p2 $0x0  }
0x1d: {  	s5 =	simm.s32 @p1 $0x1;
	p0 =	seq.s32 s7, s2  }
0x1e: {  	s7 =	smul.u32 @!p0 $0xF7A, s2;
	p2 =	seq.s32 @!p0 s5, $0x0  }
0x1f: {  	s9 =	smul.u32 $0xF7A, s1;
	s8 =	simm.s32 @!p0 $0x1BF5;
	p2 =	por !p2, p0  }
0x20: {  	[sflag:s8] =	ssyncset.s32 @!p0 $0xFFFFF086;
	s6 =	sadd.s32 @!p0 s3, s7;
	s7 =	simm.s32 @!p0 $0x108  }
0x21: {  	s3 =	sadd.s32 s3, s9;
	s6 =	sadd.s32 @!p0 $0x88, s6;
	s7 =	simm.s32 @p2 $0x1082  }
0x22: {  	[simem:s7], [sflag:s8] =	dma.local @!p0 [hbm:s6], $0xF7A  }
0x23: {  	s9 =	sor.u32 $0xD0000000, s2;
	s6 =	simm.s32 $0x108;
	_ =	swait.ge @!p0 [sflag:s8], $0x0  }
0x24: {  	s3 =	sadd.s32 $0x88, s3;
	s6 =	simm.s32 @!p1 $0x1082;
	[sflag:s4] =	ssyncset.s32 $0xFFFFF086  }
0x25: {  	[simem:s6], [sflag:s4] =	dma.local [hbm:s3], $0xF7A  }
0x26: {  	[smem:$0x3F9E] =	sst s1;
	(tag) =	ssettag s2;
	_ =	strace s9  }
0x27: {  	s1 =	sld [smem:$0x3FAE]  }
0x28: {  	s2 =	sld [smem:$0x3FAF]  }
0x29: {  	s4 =	sld [smem:$0x3FB1]  }
0x2a: {  	p0 =	seq.s32 s5, $0x0;
	s5 =	sld [smem:$0x3FB2]  }
0x2b: {  	s6 =	sld [smem:$0x3FB3]  }
0x2c: {  	s7 =	sld [smem:$0x3FB4]  }
0x2d: {  	s3 =	simm.s32 $0x108;
	s8 =	sld [smem:$0x3FB5]  }
0x2e: {  	s3 =	simm.s32 @!p0 $0x1082;
	s9 =	sld [smem:$0x3FB6]  }
0x2f: {  	lr =	sadd.s32 s0, s3;
	s0 =	sld [smem:$0x3FAD]  }
0x30: {  	s3 =	sld [smem:$0x3FB0]  }
0x31: {  	[smem:$0x3FB9] =	sst s10  }
0x32: {  	s10 =	sld [smem:$0x3FB7];
	_ =	sdelay $0x3  }
0x33: {  	p0 =	seq.s32 s10, $0x1;
	s10 =	sld [smem:$0x3FB9];
	_ =	sdelay $0x3  }
0x34: {  	[smem:$0x3FB9] =	sst s10  }
0x35: {  	s10 =	sld [smem:$0x3FB8];
	_ =	sdelay $0x3  }
0x36: {  	p1 =	seq.s32 s10, $0x1;
	s10 =	sld [smem:$0x3FB9];
	_ =	sdelay $0x3  }
0x37: {  	[smem:$0x3FB9] =	sst s10  }
0x38: {  	s10 =	sld [smem:$0x3FBA]  }
0x39: {  	_ = 	snop;
	(pc) =	sbr.ind lr, $3  }
0x3a: {  	_ = 	snop  }
0x3b: {  	_ = 	snop  }
0x3c: {  	p2 =	seq.s32 s10, $0x1;
	s10 =	sld [smem:$0x3FB9]  }
0x3d: {  	_ =	shalt  }
0x3e: {  	_ =	shalt  }
0x3f: {  	_ =	shalt  }
0x40: {  	_ =	shalt  }
0x41: {  	_ =	shalt  }
0x42: {  	_ =	shalt  }
0x43: {  	_ =	shalt  }
0x44: {  	_ =	shalt  }
0x45: {  	_ =	shalt  }
0x46: {  	_ =	shalt  }
0x47: {  	_ =	shalt  }
0x48: {  	_ =	shalt  }
0x49: {  	_ =	shalt  }
0x4a: {  	_ =	shalt  }
0x4b: {  	_ =	shalt  }
0x4c: {  	_ =	shalt  }
0x4d: {  	_ =	shalt  }
0x4e: {  	_ =	shalt  }
0x4f: {  	_ =	shalt  }
0x50: {  	_ =	shalt  }
0x51: {  	_ =	shalt  }
0x52: {  	_ =	shalt  }
0x53: {  	_ =	shalt  }
0x54: {  	_ =	shalt  }
0x55: {  	_ =	shalt  }
0x56: {  	_ =	shalt  }
0x57: {  	_ =	shalt  }
0x58: {  	_ =	shalt  }
0x59: {  	_ =	shalt  }
0x5a: {  	_ =	shalt  }
0x5b: {  	_ =	shalt  }
0x5c: {  	_ =	shalt  }
0x5d: {  	_ =	shalt  }
0x5e: {  	_ =	shalt  }
0x5f: {  	_ =	shalt  }
0x60: {  	_ =	shalt  }
0x61: {  	_ =	shalt  }
0x62: {  	_ =	shalt  }
0x63: {  	_ =	shalt  }
0x64: {  	_ =	shalt  }
0x65: {  	_ =	shalt  }
0x66: {  	_ =	shalt  }
0x67: {  	_ =	shalt  }
0x68: {  	_ =	shalt  }
0x69: {  	_ =	shalt  }
0x6a: {  	_ =	shalt  }
0x6b: {  	_ =	shalt  }
0x6c: {  	_ =	shalt  }
0x6d: {  	_ =	shalt  }
0x6e: {  	_ =	shalt  }
0x6f: {  	_ =	shalt  }
0x70: {  	_ =	shalt  }
0x71: {  	_ =	shalt  }
0x72: {  	_ =	shalt  }
0x73: {  	_ =	shalt  }
0x74: {  	_ =	shalt  }
0x75: {  	_ =	shalt  }
0x76: {  	_ =	shalt  }
0x77: {  	_ =	shalt  }
0x78: {  	_ =	shalt  }
0x79: {  	_ =	shalt  }
0x7a: {  	_ =	shalt  }
0x7b: {  	_ =	shalt  }
0x7c: {  	_ =	shalt  }
0x7d: {  	_ =	shalt  }
0x7e: {  	_ =	shalt  }
0x7f: {  	_ =	shalt  }
0x80: {  	_ =	shalt  }
0x81: {  	_ =	shalt  }
0x82: {  	_ =	shalt  }
0x83: {  	_ =	shalt  }
0x84: {  	_ =	shalt  }
0x85: {  	_ =	shalt  }
0x86: {  	_ =	shalt  }
0x87: {  	_ =	shalt  }
.Lfunc_end0:
.L_simem_size_0:
called_computation_lowered:
.L_overlay_start_0:
0x88: {  	s2 =	sld [smem:$0x3FD9]  }
0x89: {  	s3 =	sld [smem:$0x3FFE];
	_ =	sdelay $0x1  }
0x8a: {  	s1 =	srdreg.scid  }
0x8b: {  	s0 =	sand.u32 $0x1, s1  }
0x8c: {  	s17 =	sshll.u32 s0, $0xA;
	s2 =	sadd.s32 s3, s2  }
0x8d: {  	s2 =	sadd.s32 s2, s17  }
0x8e: {  	[smem:$0x3FC5] =	sst s2  }
0x8f: {  	_ = 	snop  }
0x90: {  	s2 =	sld [smem:$0x3FC9]  }
0x91: {  	s18 =	sld [smem:$0x3FC8];
	(tm) =	ssettm $0x1  }
0x92: {  	s4 =	sld [smem:$0x3FFB];
	_ =	sdelay $0x3  }
0x93: {  	_ =	strace s4  }
0x94: {  	s4 =	sld [smem:$0x3FFC];
	_ =	sdelay $0x3  }
0x95: {  	_ =	strace s4  }
0x96: {  	s4 =	sld [smem:$0x3FFD];
	_ =	sdelay $0x3  }
0x97: {  	_ =	strace s4  }
0x98: {  	_ =	strace $0x8FFFFFFF  }
0x99: {  	s19 =	sld [smem:$0x3FDB];
	_ =	sdelay $0x1  }
0x9a: {  	s5 =	simm.s32 $_scs_section_size  }
0x9b: {  	s6 =	simm.s32 $_size__tile_overlayer_lowered;
	s7 =	simm.s32 $_tile_overlayer_lowered  }
0x9c: {  	s22 =	simm.s32 $0x1BFF;
	s21 =	sshll.u32 s7, $0x1;
	s4 =	sadd.s32 s5, s19  }
0x9d: {  	s8 =	simm.s32 $0x0;
	s20 =	sshll.u32 s6, $0x1;
	s6 =	sadd.s32 s21, s4  }
0x9e: {  	[timem:s8], [sflag:s22] =	dma.local [hbm:s6], s20  }
0x9f: {  	_ =	swait.ge [sflag:s22], s20  }
0xa0: {  	s5 =	ssub.s32 $0x0, s20;
	[sflag:s22] =	ssyncset.done $0x0  }
0xa1: {  	[sflag:s22] =	ssyncadd.s32 s5;
	_ =	sdelay $0x1  }
0xa2: {  	s23 =	simm.s32 $0x1B8B  }
0xa3: {  	_ =	swait.ge [sflag:s23], $0x1  }
0xa4: {  	[sflag:s23] =	ssyncset.done $0x0  }
0xa5: {  	s25 =	simm.s32 $0x1B8E;
	s24 =	sld [smem:$0x3FFE];
	[sflag:s23] =	ssyncadd.s32 $0xFFFFFFFF  }
0xa6: {  	s26 =	simm.s32 $execute0_lowered;
	[smem:$0x3FD2] =	sst s25  }
0xa7: {  	s6 =	sshll.u32 s26, $0x1;
	_ =	strace $0x80000046;
	[dreg:$0x1] =	wrdreg $0xFFFFFFFF  }
0xa8: {  	s28 =	simm.s32 $_size_execute0_lowered;
	s4 =	sadd.s32 s4, s6;
	[dreg:$0x0] =	wrdreg $0x0  }
0xa9: {  	s6 =	sshll.u32 s28, $0x1;
	[dreg:$0x2] =	wrdreg s4  }
0xaa: {  	[dreg:$0x3] =	wrdreg s6  }
0xab: {  	[dreg:$0x4] =	wrdreg $0xC0  }
0xac: {  	_ =	task [dreg:s8], $0x5FFFF  }
0xad: {  	[dreg:$0x1] =	wrdreg $0xFFFFFFFF  }
0xae: {  	[dreg:$0x0] =	wrdreg $0x60  }
0xaf: {  	[dreg:$0x2] =	wrdreg s2  }
0xb0: {  	[dreg:$0x3] =	wrdreg s18  }
0xb1: {  	[dreg:$0x4] =	wrdreg s24  }
0xb2: {  	[dreg:$0x5] =	wrdreg $0xA2000  }
0xb3: {  	[dreg:$0x6] =	wrdreg $0x9  }
0xb4: {  	_ =	task.clear_ibuf [dreg:s8], $0x7FFFF;
	_ =	strace $0x90000046  }
0xb5: {  	s29 =	simm.s32 $0x9;
	_ =	strace $0x80000048  }
0xb6: {  	_ =	swait.ge [sflag:s29], $0x1  }
0xb7: {  	[sflag:s29] =	ssyncadd.s32 $0xFFFFFFFF  }
0xb8: {  	_ =	strace $0x90000048  }
0xb9: {  	_ =	sfence  }
0xba: {  	s30 =	sld [smem:$0x0];
	_ =	sdelay $0x2  }
0xbb: {  	s31 =	sshll.u32 s1, $0xD;
	s1 =	sshrl.u32 s1, $0x2  }
0xbc: {  	s3 =	sand.u32 $0x4000, s31;
	s1 =	sadd.s32 s1, s30  }
0xbd: {  	s0 =	sor.u32 s3, s0;
	s1 =	sshll.u32 s1, $0x11  }
0xbe: {  	s0 =	sor.u32 s1, s0  }
0xbf: {  	s0 =	sadd.s32 $0x8F2B, s0  }
0xc0: {  	[sflag:s0] =	ssyncadd.remote.s32 $0x1  }
0xc1: {  	_ =	sfence.sel $0xFFFF  }
0xc2: {  	[dreg:$0x0] =	wrdreg $0xFFFFFFFF;
	(pc) =	sbr.abs _section_cstart, $3  }
0xc3: {  	[dreg:$0x1] =	wrdreg $0xFFFFFFFF  }
0xc4: {  	_ =	task.clear_ibuf [dreg:s8], $0x2FFFF;
	_ =	strace $0x9FFFFFFF  }
0xc5: {  	(tm) =	ssettm $0x7FFFFFFF  }
tec
execute0_lowered:
.L_overlay_start_1:
0x0: {  	(tag) =	ssettag $0x1  }
0x1: {  	s1 =	rddreg [dreg:$0x0]  }
0x2: {  	s2 =	rddreg [dreg:$0x1]  }
0x3: {  	s5 =	rddreg [dreg:$0x2]  }
0x4: {  	s8 =	rddreg [dreg:$0x3]  }
0x5: {  	s0 =	rddreg [dreg:$0x4]  }
0x6: {  	s4 =	simm.s32 $0x0;
	s3 =	stileid.u32;
	s6 =	srdreg.scid  }
0x7: {  	s13 =	simm.s32 $0x4000;
	s14 =	simm.s32 $0x1;
	s15 =	simm.s32 $0x2000  }
0x8: {  	s16 =	simm.s32 $0xA100;
	s17 =	simm.s32 $0xA000;
	s18 =	simm.s32 $0x6000  }
0x9: {  	[smem:$0x7FF] =	sst s4;
	s7 =	sshll.u32 s3, $0x7;
	s9 =	sand.u32 $0x1, s6  }
0xa: {  	s19 =	sshrl.u32 s3, $0x3;
	s31 =	sshll.u32 s3, $0xD;
	_ =	strace $0x80000047  }
0xb: {  	s6 =	ssub.s32 $0x2, s9;
	s10 =	sshll.u32 s9, $0xB;
	s11 =	sshll.u32 s19, $0xA  }
0xc: {  	s12 =	sadd.s32 s7, s5;
	s5 =	sand.u32 $0x7, s3;
	s9 =	sshll.u32 s9, $0xD  }
.Ltmp0:
0xd: {  	p0 =	seq.s32 s19, $0x0;
	s19 =	simm.s32 $0x8000;
	(pc) =	sbr.rel .LBB2_1-.Ltmp0, $4  }
0xe: {  	v0 =	vlaneseq.u32;
	s26 =	sshrl.u32 s6, $0x1;
	s28 =	sor.u32 s10, s11;
	s30 =	sshll.u32 s5, $0xD  }
0xf: {  	v1 =	vmul.u32 $0x80, v0;
	s9 =	sadd.s32 s9, s12;
	s11 =	simm.s32 $0x400;
	s12 =	simm.s32 $0xC3800  }
0x10: {  	v2 =	vimm.f32 $0.0e+00;
	s29 =	ssub.s32 s6, s26;
	s6 =	sor.u32 $0x17000, s28;
	s7 =	sadd.s32 s30, s8  }
0x11: {  	v3 =	vor.u32 $0x800, v1;
	v4 =	vor.u32 $0x1000, v1;
	v5 =	vor.u32 $0x1800, v1;
	s8 =	sadd.s32 s31, s8;
	s9 =	sadd.s32 $0x600, s9;
	s10 =	smax.u32 s29, $0x1  }
.LBB2_15:
.Ltmp1:
0x12: {  	(pc) =	sbr.rel @p0 .LBB2_17-.Ltmp1, $1  }
0x13: {  	_ =	sdelay $0x3  }
0x14: {  	[spmem:s7] =	stream.linear.scatter [tilespmem:s18], [sflag:$0x1], $0x2000, $0x38;
	[tilespmem:$0xB200] =	vst v63  }
0x15: {  	_ =	swait.ge [sflag:s14], $0x2000  }
0x16: {  	[sflag:s14] =	ssyncset.done $0x0  }
0x17: {  	[sflag:s14] =	ssyncadd.s32 $0xFFFFE000  }
0x18: {  	[bflag:$0x0] =	sbarrier.arrive $0xFFFF  }
.LBB2_20:
0x19: {  	s4 =	sadd.s32 $0x1, s4  }
0x1a: {  	p1 =	sne.s32 s4, s10  }
.Ltmp2:
0x1b: {  	_ = 	snop;
	(pc) =	sbr.rel @!p1 .LBB2_21-.Ltmp2, $1  }
0x1c: {  	_ =	sdelay $0x3  }
.LBB2_1:
0x1d: {  	s21 =	simm.s32 $0x0;
	s20 =	simm.s32 $0x200  }
.LBB2_2:
0x1e: {  	p1 =	sne.s32 s20, $0x7E00;
	[tilespmem:s21+$0x6070] =	vst v2  }
0x1f: {  	[tilespmem:s21+$0x6000] =	vst v2  }
0x20: {  	[tilespmem:s21+$0x6010] =	vst v2  }
.Ltmp3:
0x21: {  	[tilespmem:s21+$0x6020] =	vst v2;
	(pc) =	sbr.rel @p1 .LBB2_2-.Ltmp3, $4  }
0x22: {  	[tilespmem:s21+$0x6030] =	vst v2  }
0x23: {  	[tilespmem:s21+$0x6040] =	vst v2  }
0x24: {  	[tilespmem:s21+$0x6050] =	vst v2  }
0x25: {  	[tilespmem:s21+$0x6060] =	vst v2;
	s21 =	sshra.s32 s20, $0x2;
	s20 =	sadd.s32 $0x200, s20  }
0x26: {  	[tilespmem:s21+$0x6070] =	vst v2  }
0x27: {  	[tilespmem:s21+$0x6000] =	vst v2  }
0x28: {  	[tilespmem:s21+$0x6010] =	vst v2  }
.Ltmp4:
0x29: {  	[tilespmem:s21+$0x6020] =	vst v2;
	(pc) =	sbr.rel .LBB2_4-.Ltmp4, $4  }
0x2a: {  	[tilespmem:s21+$0x6030] =	vst v2  }
0x2b: {  	[tilespmem:s21+$0x6040] =	vst v2  }
0x2c: {  	[tilespmem:s21+$0x6050] =	vst v2  }
0x2d: {  	s20 =	simm.s32 $0x0;
	[tilespmem:s21+$0x6060] =	vst v2;
	s21 =	simm.s32 $0x0  }
.LBB2_14:
0x2e: {  	s21 =	sadd.s32 $0x1, s21  }
0x2f: {  	p1 =	sne.s32 s21, $0x8  }
.Ltmp5:
0x30: {  	_ = 	snop;
	(pc) =	sbr.rel @!p1 .LBB2_15-.Ltmp5, $1  }
0x31: {  	_ =	sdelay $0x3  }
.LBB2_4:
0x32: {  	s22 =	sshll.u32 s21, $0x7  }
0x33: {  	s22 =	sadd.s32 s6, s22  }
0x34: {  	s23 =	sadd.s32 s2, s22;
	s22 =	sor.u32 s5, s22  }
0x35: {  	[tilespmem:s13], [sflag:$0x1] =	stream.strided.gather [hbm4b:s23+s11], $0x2000, s12, s11, $0x38;
	[tilespmem:$0xB200] =	vst v63  }
0x36: {  	s22 =	sshll.u32 s22, $0x7;
	_ =	swait.ge [sflag:s14], $0x2000  }
0x37: {  	s22 =	sand.u32 $0x1FFFFF80, s22;
	[sflag:s14] =	ssyncset.done $0x0  }
.Ltmp6:
0x38: {  	s22 =	sadd.s32 s1, s22;
	[sflag:s14] =	ssyncadd.s32 $0xFFFFE000;
	(pc) =	sbr.rel .LBB2_5-.Ltmp6, $4  }
0x39: {  	[tilespmem:s20], [sflag:$0x1] =	stream.strided.gather [hbm4b:s22+s11], $0x4000, s15, s11, $0x38;
	[tilespmem:$0xB200] =	vst v63  }
0x3a: {  	_ =	swait.ge [sflag:s14], $0x4000  }
0x3b: {  	[sflag:s14] =	ssyncset.done $0x0  }
0x3c: {  	s23 =	simm.s32 $0x0;
	s22 =	simm.s32 $0x0;
	[sflag:s14] =	ssyncadd.s32 $0xFFFFC000  }
.LBB2_9:
0x3d: {  	_ = 	snop  }
.LBB2_12:
0x3e: {  	_ =	sdelay $0x3  }
0x3f: {  	[tilespmem:v11+s18+$0x0] =	vst.idx.add.f32.msk @p1 $0xffff, v12  }
0x40: {  	v11 =	vld.idx.msk [tilespmem:v10+s16+$0x0], $0xffff;
	_ =	sdelay $0x2  }
0x41: {  	v62 =	vld.idx.msk [tilespmem:v10+s17+$0x0], $0xffff;
	_ =	sdelay $0x1  }
0x42: {  	v63 =	vadd.s32 v1, v11  }
0x43: {  	v13 =	vadd.s32 v3, v11  }
0x44: {  	v14 =	vadd.s32 v4, v11  }
0x45: {  	v8 =	vmul.f32 v62, v8;
	v11 =	vadd.s32 v5, v11  }
0x46: {  	v6 =	vmul.f32 v62, v6  }
0x47: {  	v7 =	vmul.f32 v62, v7;
	[tilespmem:v63+s18+$0x0] =	vst.idx.add.f32.msk $0xffff, v8  }
0x48: {  	[tilespmem:v13+s18+$0x0] =	vst.idx.add.f32.msk $0xffff, v6;
	v6 =	vmul.f32 v62, v9  }
0x49: {  	[tilespmem:v14+s18+$0x0] =	vst.idx.add.f32.msk $0xffff, v7  }
0x4a: {  	[tilespmem:v11+s18+$0x0] =	vst.idx.add.f32.msk $0xffff, v6  }
.LBB2_13:
0x4b: {  	s23 =	sadd.s32 $0x1, s23  }
0x4c: {  	p1 =	sne.s32 s23, $0x80  }
.Ltmp7:
0x4d: {  	_ = 	snop;
	(pc) =	sbr.rel @!p1 .LBB2_14-.Ltmp7, $2  }
0x4e: {  	_ =	sdelay $0x2  }
0x4f: {  	s22 =	sadd.s32 $0x80, s22  }
.LBB2_5:
0x50: {  	v6 =	vld [tilespmem:s22+$0x0];
	_ =	sdelay $0x4  }
0x51: {  	vm0 =	vlt.f32 v6, $0.0e+00;
	vm1 =	vgt.f32 v6, $0.0e+00  }
0x52: {  	vm0 =	vmor vm1, vm0  }
0x53: {  	v7 =	vmpcnt.ones.xlane vm0;
	_ =	sdelay $0x1  }
0x54: {  	(v2sf) =	vpush v7, $0x0;
	_ =	sdelay $0x3  }
0x55: {  	s24 =	simm.s32 $0x0  }
0x56: {  	[tilespmem:s24+$0xA000] =	vst.msk vm0, v6;
	v6 =	vor.u32 s24, v0  }
0x57: {  	s26 =	sadd.s32 $0x10, s22;
	[tilespmem:s24+$0xA100] =	vst.msk vm0, v6  }
0x58: {  	s25 =	simm.s32 $0x10;
	s28 =	simm.s32 $0x20;
	v6 =	vld [tilespmem:s26+$0x0]  }
.LBB2_6:
0x59: {  	p1 =	sne.s32 s28, $0x70;
	_ =	sdelay $0x3  }
0x5a: {  	vm0 =	vlt.f32 v6, $0.0e+00;
	vm1 =	vgt.f32 v6, $0.0e+00  }
0x5b: {  	vm0 =	vmor vm1, vm0  }
0x5c: {  	v7 =	vmpcnt.ones.xlane vm0  }
0x5d: {  	s29 =	spop (v2sf)  }
0x5e: {  	(v2sf) =	vpush v7, $0x0;
	s24 =	sadd.s32 s24, s29  }
0x5f: {  	[tilespmem:s24+$0xA000] =	vst.msk vm0, v6;
	v6 =	vor.u32 s25, v0;
	s25 =	smov.u32 s28  }
0x60: {  	[tilespmem:s24+$0xA100] =	vst.msk vm0, v6  }
.Ltmp8:
0x61: {  	(pc) =	sbr.rel @p1 .LBB2_6-.Ltmp8, $3  }
0x62: {  	_ =	sdelay $0x1  }
0x63: {  	s26 =	sadd.s32 $0x10, s26  }
0x64: {  	s28 =	sadd.s32 $0x10, s28;
	v6 =	vld [tilespmem:s26+$0x0]  }
0x65: {  	_ =	sdelay $0x3  }
0x66: {  	vm0 =	vlt.f32 v6, $0.0e+00;
	vm1 =	vgt.f32 v6, $0.0e+00  }
0x67: {  	vm0 =	vmor vm1, vm0  }
0x68: {  	v7 =	vmpcnt.ones.xlane vm0;
	_ =	sdelay $0x1  }
0x69: {  	(v2sf) =	vpush v7, $0x0;
	_ =	sdelay $0xd  }
0x6a: {  	s26 =	spop (v2sf)  }
0x6b: {  	s24 =	sadd.s32 s24, s26;
	s26 =	spop (v2sf)  }
0x6c: {  	s28 =	sadd.s32 s24, s26  }
0x6d: {  	p1 =	slt.s32 s28, $0x1  }
.Ltmp9:
0x6e: {  	_ = 	snop;
	(pc) =	sbr.rel @p1 .LBB2_13-.Ltmp9, $3  }
0x6f: {  	_ =	sdelay $0x1  }
0x70: {  	[tilespmem:s24+$0xA000] =	vst.msk vm0, v6;
	v6 =	vor.u32 s25, v0  }
0x71: {  	[tilespmem:s24+$0xA100] =	vst.msk vm0, v6  }
0x72: {  	v6 =	vmov s23  }
0x73: {  	v6 =	vand.u32 $0x7F, v6  }
0x74: {  	v6 =	vbroadcast v6, $0x0;
	_ =	sdelay $0x1  }
0x75: {  	v7 =	vor.u32 v1, v6  }
0x76: {  	v9 =	vor.u32 v3, v6  }
0x77: {  	s24 =	sadd.s32 s24, s26;
	v10 =	vor.u32 v4, v6  }
0x78: {  	p2 =	sne.s32 s24, $0x1;
	v11 =	vor.u32 v5, v6  }
.Ltmp10:
0x79: {  	_ = 	snop;
	(pc) =	sbr.rel @!p2 .LBB2_9-.Ltmp10, $4  }
0x7a: {  	v8 =	vld.idx.msk [tilespmem:v7+s13+$0x0], $0xffff  }
0x7b: {  	v6 =	vld.idx.msk [tilespmem:v9+s13+$0x0], $0xffff  }
0x7c: {  	s25 =	simm.s32 $0x0;
	v7 =	vld.idx.msk [tilespmem:v10+s13+$0x0], $0xffff  }
0x7d: {  	s26 =	simm.s32 $0x1;
	p1 =	por $0x0, $0x0;
	v9 =	vld.idx.msk [tilespmem:v11+s13+$0x0], $0xffff;
	v10 =	vmov s25  }
0x7e: {  	_ =	sdelay $0x3  }
0x7f: {  	v11 =	vld.idx.msk [tilespmem:v10+s16+$0x0], $0xffff;
	_ =	sdelay $0x2  }
0x80: {  	v12 =	vld.idx.msk [tilespmem:v10+s17+$0x0], $0xffff;
	_ =	sdelay $0x1  }
0x81: {  	v10 =	vadd.s32 v1, v11;
	_ =	sdelay $0x1  }
0x82: {  	v13 =	vadd.s32 v3, v11  }
0x83: {  	p2 =	sne.s32 s24, $0x2;
	v14 =	vadd.s32 v4, v11;
	v15 =	vmul.f32 v12, v8  }
.Ltmp11:
0x84: {  	v11 =	vadd.s32 v5, v11;
	(pc) =	sbr.rel @!p2 .LBB2_12-.Ltmp11, $4  }
0x85: {  	v16 =	vmul.f32 v12, v6;
	[tilespmem:v10+s18+$0x0] =	vst.idx.add.f32.msk $0xffff, v15;
	v10 =	vmov s26  }
0x86: {  	v15 =	vmul.f32 v12, v7  }
0x87: {  	v12 =	vmul.f32 v12, v9;
	[tilespmem:v13+s18+$0x0] =	vst.idx.add.f32.msk $0xffff, v16  }
0x88: {  	s25 =	simm.s32 $0x2;
	p1 =	por $0x1, $0x1;
	[tilespmem:v14+s18+$0x0] =	vst.idx.add.f32.msk $0xffff, v15  }
.LBB2_11:
0x89: {  	[tilespmem:v11+s18+$0x0] =	vst.idx.add.f32.msk $0xffff, v12;
	s26 =	smov.u32 s25;
	s25 =	sadd.s32 $0x1, s25  }
0x8a: {  	p2 =	sne.s32 s24, s25;
	v11 =	vld.idx.msk [tilespmem:v10+s16+$0x0], $0xffff;
	_ =	sdelay $0x2  }
0x8b: {  	v12 =	vld.idx.msk [tilespmem:v10+s17+$0x0], $0xffff;
	_ =	sdelay $0x2  }
0x8c: {  	v13 =	vadd.s32 v1, v11  }
0x8d: {  	v14 =	vadd.s32 v3, v11  }
0x8e: {  	v15 =	vadd.s32 v4, v11  }
.Ltmp12:
0x8f: {  	v11 =	vadd.s32 v5, v11;
	v16 =	vmul.f32 v12, v8;
	(pc) =	sbr.rel @p2 .LBB2_11-.Ltmp12, $4  }
0x90: {  	v10 =	vmov s26;
	v17 =	vmul.f32 v12, v6  }
0x91: {  	[tilespmem:v13+s18+$0x0] =	vst.idx.add.f32.msk $0xffff, v16;
	v13 =	vmul.f32 v12, v7  }
0x92: {  	v12 =	vmul.f32 v12, v9;
	[tilespmem:v14+s18+$0x0] =	vst.idx.add.f32.msk $0xffff, v17  }
0x93: {  	[tilespmem:v15+s18+$0x0] =	vst.idx.add.f32.msk $0xffff, v13  }
.Ltmp13:
0x94: {  	_ = 	snop;
	(pc) =	sbr.rel .LBB2_12-.Ltmp13, $1  }
0x95: {  	_ =	sdelay $0x3  }
.LBB2_17:
0x96: {  	[bflag:$0x0] =	sbarrier.arrive $0xFFFF  }
0x97: {  	[tilespmem:s19], [sflag:$0x1] =	stream.linear.gather [spmem:s8], $0x2000, $0x38;
	[tilespmem:$0xB200] =	vst v63  }
0x98: {  	_ =	swait.ge [sflag:s14], $0x2000  }
0x99: {  	[sflag:s14] =	ssyncset.done $0x0  }
0x9a: {  	s20 =	simm.s32 $0x0;
	[sflag:s14] =	ssyncadd.s32 $0xFFFFE000  }
0x9b: {  	v13 =	vld [tilespmem:s20+$0x8000]  }
0x9c: {  	v17 =	vld [tilespmem:s20+$0x8010]  }
0x9d: {  	v11 =	vld [tilespmem:s20+$0x8020]  }
0x9e: {  	v10 =	vld [tilespmem:s20+$0x8030]  }
0x9f: {  	v9 =	vld [tilespmem:s20+$0x8040]  }
0xa0: {  	v8 =	vld [tilespmem:s20+$0x8050]  }
0xa1: {  	v7 =	vld [tilespmem:s20+$0x8060]  }
0xa2: {  	v6 =	vld [tilespmem:s20+$0x8070]  }
0xa3: {  	v18 =	vld [tilespmem:s20+$0x6000]  }
0xa4: {  	v19 =	vld [tilespmem:s20+$0x6010]  }
0xa5: {  	v16 =	vld [tilespmem:s20+$0x6020]  }
0xa6: {  	v15 =	vld [tilespmem:s20+$0x6030]  }
0xa7: {  	v14 =	vld [tilespmem:s20+$0x6040]  }
0xa8: {  	v12 =	vld [tilespmem:s20+$0x6050];
	v18 =	vadd.f32 v13, v18  }
0xa9: {  	s21 =	simm.s32 $0x200;
	v17 =	vadd.f32 v17, v19;
	v13 =	vld [tilespmem:s20+$0x6060]  }
.LBB2_18:
0xaa: {  	s22 =	sshra.s32 s21, $0x2;
	p1 =	sne.s32 s21, $0x7E00;
	[tilespmem:s20+$0x6000] =	vst v18;
	v11 =	vadd.f32 v11, v16;
	v16 =	vld [tilespmem:s20+$0x6070]  }
0xab: {  	v18 =	vld [tilespmem:s22+$0x8000];
	[tilespmem:s20+$0x6010] =	vst v17;
	v10 =	vadd.f32 v10, v15  }
0xac: {  	v17 =	vld [tilespmem:s22+$0x8010];
	[tilespmem:s20+$0x6020] =	vst v11;
	v9 =	vadd.f32 v9, v14  }
0xad: {  	v11 =	vld [tilespmem:s22+$0x8020];
	[tilespmem:s20+$0x6030] =	vst v10;
	v8 =	vadd.f32 v8, v12  }
0xae: {  	v10 =	vld [tilespmem:s22+$0x8030];
	[tilespmem:s20+$0x6040] =	vst v9;
	v7 =	vadd.f32 v7, v13  }
0xaf: {  	v9 =	vld [tilespmem:s22+$0x8040];
	[tilespmem:s20+$0x6050] =	vst v8;
	v6 =	vadd.f32 v6, v16  }
0xb0: {  	v8 =	vld [tilespmem:s22+$0x8050];
	[tilespmem:s20+$0x6060] =	vst v7  }
0xb1: {  	v7 =	vld [tilespmem:s22+$0x8060];
	[tilespmem:s20+$0x6070] =	vst v6;
	s20 =	smov.u32 s22  }
0xb2: {  	v6 =	vld [tilespmem:s20+$0x8070]  }
0xb3: {  	v12 =	vld [tilespmem:s20+$0x6000]  }
0xb4: {  	v13 =	vld [tilespmem:s20+$0x6010]  }
.Ltmp14:
0xb5: {  	v16 =	vld [tilespmem:s20+$0x6020];
	(pc) =	sbr.rel @p1 .LBB2_18-.Ltmp14, $4  }
0xb6: {  	v15 =	vld [tilespmem:s20+$0x6030]  }
0xb7: {  	v14 =	vld [tilespmem:s20+$0x6040]  }
0xb8: {  	v18 =	vadd.f32 v18, v12;
	v12 =	vld [tilespmem:s20+$0x6050]  }
0xb9: {  	s21 =	sadd.s32 $0x200, s21;
	v17 =	vadd.f32 v17, v13;
	v13 =	vld [tilespmem:s20+$0x6060]  }
0xba: {  	[tilespmem:s20+$0x6000] =	vst v18;
	v11 =	vadd.f32 v11, v16;
	v63 =	vld [tilespmem:s20+$0x6070]  }
0xbb: {  	[tilespmem:s20+$0x6010] =	vst v17;
	v10 =	vadd.f32 v10, v15  }
0xbc: {  	[tilespmem:s20+$0x6020] =	vst v11;
	v9 =	vadd.f32 v9, v14  }
0xbd: {  	[tilespmem:s20+$0x6030] =	vst v10;
	v8 =	vadd.f32 v8, v12  }
0xbe: {  	[tilespmem:s20+$0x6040] =	vst v9;
	v7 =	vadd.f32 v7, v13  }
0xbf: {  	[tilespmem:s20+$0x6050] =	vst v8;
	v6 =	vadd.f32 v6, v63  }
0xc0: {  	[tilespmem:s20+$0x6060] =	vst v7  }
.Ltmp15:
0xc1: {  	[tilespmem:s20+$0x6070] =	vst v6;
	(pc) =	sbr.rel .LBB2_20-.Ltmp15, $4  }
0xc2: {  	[hbm4b:s9+s11] =	stream.strided.scatter [tilespmem:s18], [sflag:$0x1], $0x2000, s15, s11, $0x38;
	[tilespmem:$0xB200] =	vst v63  }
0xc3: {  	_ =	swait.ge [sflag:s14], $0x2000  }
0xc4: {  	[sflag:s14] =	ssyncset.done $0x0  }
0xc5: {  	[sflag:s14] =	ssyncadd.s32 $0xFFFFE000  }
.LBB2_21:
0xc6: {  	_ =	sfence.sel $0x180000  }
0xc7: {  	[bflag:$0x0] =	sbarrier.arrive $0xFFFF  }
0xc8: {  	p0 =	sne.s32 s3, $0x0;
	_ =	strace $0x90000047  }
0xc9: {  	s0 =	sadd.s32 @!p0 $0x100000, s0;
	[bflag:$0x2] =	sbarrier.arrive $0xFFFF  }
0xca: {  	[sflag:s0] =	ssyncadd.tile.s32 @!p0 $0x1;
	_ =	shalt  }
.Lfunc_end2:
_tile_overlayer_lowered:
.L_overlay_start_2:
0xcb: {  	(tag) =	ssettag $0x2  }
0xcc: {  	s0 =	rddreg [dreg:$0x0];
	s2 =	stileid.u32  }
0xcd: {  	s1 =	rddreg [dreg:$0x1];
	p0 =	sne.s32 s2, $0x0  }
0xce: {  	s3 =	rddreg [dreg:$0x2];
	[bflag:$0x3] =	sbarrier.arrive $0xFFFF;
	s2 =	simm.s32 @!p0 $0x1C01  }
0xcf: {  	[timem:s3], [sflag:s2] =	dma.local @!p0 [hbm:s0], s1  }
0xd0: {  	s0 =	simm.s32 @!p0 $0x1  }
0xd1: {  	_ =	swait.ge @!p0 [sflag:s0], s1  }
0xd2: {  	s1 =	ssub.s32 @!p0 $0x0, s1;
	[sflag:s0] =	ssyncset.done @!p0 $0x0  }
0xd3: {  	[sflag:s0] =	ssyncadd.s32 @!p0 s1  }
0xd4: {  	[bflag:$0x3] =	sbarrier.arrive $0xFFFF  }
0xd5: {  	_ =	shalt  }

</sc_bundles>
